<compile_context>
chip_gen: v7x
topology: tpu7x:2x2x1
jax: 0.10.2.dev20260603
libtpu: 0.0.44.dev20260713+nightly
codegen_flags: <defaults>
</compile_context>

<pallas_src>
import functools

import jax
import jax.numpy as jnp
from jax import lax
from jax.experimental import pallas as pl
from jax.experimental.pallas import tpu as pltpu
from jax.experimental.pallas import tpu_sc as plsc

B, D, T = 16384, 128, 1000
NW = 32
ROWS_PER_W = B // NW
CH = 128
NCHUNK = ROWS_PER_W // CH
LANES = 16


def _body(x0_hbm, t_hbm, noise_hbm, ta_hbm, tb_hbm, out_hbm,
          ta_v, tb_v, t_v, ca_v, cb_v, x0_v, nz_v, out_v,
          sem_tab, sem_in, sem_out):
    wid = lax.axis_index("s") * 2 + lax.axis_index("c")
    slab = wid * ROWS_PER_W

    htab_a = pltpu.async_copy(ta_hbm, ta_v, sem_tab)
    htab_b = pltpu.async_copy(tb_hbm, tb_v, sem_tab)
    ht = pltpu.async_copy(t_hbm.at[pl.ds(slab, ROWS_PER_W)], t_v, sem_tab)

    def in_copies(c, slot):
        base = slab + c * CH
        return (
            pltpu.make_async_copy(x0_hbm.at[pl.ds(base, CH)], x0_v.at[slot],
                                  sem_in.at[slot]),
            pltpu.make_async_copy(noise_hbm.at[pl.ds(base, CH)],
                                  nz_v.at[slot], sem_in.at[slot]),
        )

    def start_in(c, slot):
        for cp in in_copies(c, slot):
            cp.start()

    def out_copy(c, slot):
        base = slab + c * CH
        return pltpu.make_async_copy(out_v.at[slot],
                                     out_hbm.at[pl.ds(base, CH)],
                                     sem_out.at[slot])

    start_in(0, 0)
    htab_a.wait()
    htab_b.wait()
    ht.wait()

    def gather_grp(g, _):
        sl = pl.ds(g * LANES, LANES)
        idx = t_v[sl]
        ca_v[sl] = plsc.load_gather(ta_v, [idx])
        cb_v[sl] = plsc.load_gather(tb_v, [idx])
        return 0

    lax.fori_loop(0, ROWS_PER_W // LANES, gather_grp, 0)

    start_in(1, 1)

    def compute(c, slot):
        x0s, nzs, outs = x0_v.at[slot], nz_v.at[slot], out_v.at[slot]

        def row(r, _):
            rsplat = jnp.broadcast_to(c * CH + r, (LANES,))
            av = plsc.load_gather(ca_v, [rsplat])
            bv = plsc.load_gather(cb_v, [rsplat])
            xr, nr, outr = x0s.at[r], nzs.at[r], outs.at[r]
            for j in range(D // LANES):
                sl = pl.ds(j * LANES, LANES)
                outr[sl] = av * xr[sl] + bv * nr[sl]
            return 0

        lax.fori_loop(0, CH, row, 0)

    def super_chunk(cc, _):
        for half in range(2):
            c = 2 * cc + half
            for cp in in_copies(c, half):
                cp.wait()

            @pl.when(cc >= 1)
            def _():
                out_copy(c - 2, half).wait()

            compute(c, half)
            out_copy(c, half).start()

            @pl.when(cc < NCHUNK // 2 - 1)
            def _():
                start_in(c + 2, half)
        return 0

    lax.fori_loop(0, NCHUNK // 2, super_chunk, 0)
    out_copy(NCHUNK - 2, 0).wait()
    out_copy(NCHUNK - 1, 1).wait()


def kernel(x0, t, noise, sqrt_alphas_cumprod, sqrt_one_minus_alphas_cumprod):
    mesh = plsc.VectorSubcoreMesh(core_axis_name="c", subcore_axis_name="s")
    f = functools.partial(
        pl.kernel,
        mesh=mesh,
        out_type=jax.ShapeDtypeStruct((B, D), jnp.float32),
        compiler_params=pltpu.CompilerParams(
            needs_layout_passes=False,
            disable_bounds_checks=True,
        ),
        scratch_types=[
            pltpu.VMEM((T,), jnp.float32),
            pltpu.VMEM((T,), jnp.float32),
            pltpu.VMEM((ROWS_PER_W,), jnp.int32),
            pltpu.VMEM((ROWS_PER_W,), jnp.float32),
            pltpu.VMEM((ROWS_PER_W,), jnp.float32),
            pltpu.VMEM((2, CH, D), jnp.float32),
            pltpu.VMEM((2, CH, D), jnp.float32),
            pltpu.VMEM((2, CH, D), jnp.float32),
            pltpu.SemaphoreType.DMA,
            pltpu.SemaphoreType.DMA((2,)),
            pltpu.SemaphoreType.DMA((2,)),
        ],
    )(_body)
    return f(x0, t, noise, sqrt_alphas_cumprod, sqrt_one_minus_alphas_cumprod)

# --- scband reference (transcript-rebuilt; emitter-appended) ---
"""Pipeline reference for scband-linear-noise-scheduler-53996328845852 (READ-ONLY COPY).

The authoritative reference and input builder live on the scoring server;
editing this copy changes nothing except your own understanding.
"""

import jax, jax.numpy as jnp
import numpy as np

B, D, T = 16384, 128, 1000
BETA_MIN, BETA_MAX = 0.0004, 0.04


def setup_inputs(seed: int = 0) -> dict:
    key = jax.random.key(seed)
    k1, k2, k3 = jax.random.split(key, 3)
    betas = jnp.linspace(BETA_MIN, BETA_MAX, T)
    alphas = 1.0 - betas
    alphas_cumprod = jnp.cumprod(alphas, axis=0)
    return {
        "x0": jax.random.normal(k1, (B, D), dtype=jnp.float32),
        "t": jax.random.randint(k2, (B,), 0, T, dtype=jnp.int32),
        "noise": jax.random.normal(k3, (B, D), dtype=jnp.float32),
        "sqrt_alphas_cumprod": jnp.sqrt(alphas_cumprod),
        "sqrt_one_minus_alphas_cumprod": jnp.sqrt(1.0 - alphas_cumprod),
    }


def reference(x0, t, noise, sqrt_alphas_cumprod, sqrt_one_minus_alphas_cumprod):
    # forward_process: gather per-timestep coefficients, then affine mix of x0 and noise
    sqrt_alpha_cumprod_t = jnp.take(sqrt_alphas_cumprod, t, axis=0)[:, None]
    sqrt_one_minus_alpha_cumprod_t = jnp.take(sqrt_one_minus_alphas_cumprod, t, axis=0)[:, None]
    return sqrt_alpha_cumprod_t * x0 + sqrt_one_minus_alpha_cumprod_t * noise

if __name__ == "__main__":
    import jax
    _d = setup_inputs()
    print(jax.jit(kernel)(*tuple(_d.values())))

</pallas_src>

<mosaic_0001>
#map = affine_map<(d0, d1) -> (0, 0)>
#map1 = affine_map<(d0, d1) -> (0)>
module attributes {stable_mosaic.version = 14 : i64} {
  func.func @_body(%arg0: i32, %arg1: i32, %arg2: memref<16384x128xf32, #tpu.memory_space<hbm>>, %arg3: memref<16384xi32, #tpu.memory_space<hbm>>, %arg4: memref<16384x128xf32, #tpu.memory_space<hbm>>, %arg5: memref<1000xf32, #tpu.memory_space<hbm>>, %arg6: memref<1000xf32, #tpu.memory_space<hbm>>, %arg7: memref<16384x128xf32, #tpu.memory_space<hbm>>, %arg8: memref<1000xf32, #tpu.memory_space<vmem>>, %arg9: memref<1000xf32, #tpu.memory_space<vmem>>, %arg10: memref<512xi32, #tpu.memory_space<vmem>>, %arg11: memref<512xf32, #tpu.memory_space<vmem>>, %arg12: memref<512xf32, #tpu.memory_space<vmem>>, %arg13: memref<2x128x128xf32, #tpu.memory_space<vmem>>, %arg14: memref<2x128x128xf32, #tpu.memory_space<vmem>>, %arg15: memref<2x128x128xf32, #tpu.memory_space<vmem>>, %arg16: memref<!tpu.dma_semaphore, #tpu.memory_space<semaphore_mem>>, %arg17: memref<2x!tpu.dma_semaphore, #tpu.memory_space<semaphore_mem>>, %arg18: memref<2x!tpu.dma_semaphore, #tpu.memory_space<semaphore_mem>>) attributes {dimension_semantics = [#tpu.dimension_semantics<core_parallel>, #tpu.dimension_semantics<subcore_parallel>], iteration_bounds = array<i64: 2, 16>, scalar_prefetch = 0 : i64, scratch_operands = 11 : i64, tpu.core_type = #tpu.core_type<sc_vector_subcore>, window_params = [{transform_indices = #map}, {transform_indices = #map1}, {transform_indices = #map}, {transform_indices = #map1}, {transform_indices = #map1}, {transform_indices = #map}]} {
    %mul3A = arith.constant 2 : i32
    %mul3A_0 = arith.muli %arg1, %mul3A : i32
    %add3A = arith.addi %mul3A_0, %arg0 : i32
    %mul3A_1 = arith.constant 512 : i32
    %mul3A_2 = arith.muli %add3A, %mul3A_1 : i32
    tpu.enqueue_dma source(%arg5 : memref<1000xf32, #tpu.memory_space<hbm>>) target(%arg8 : memref<1000xf32, #tpu.memory_space<vmem>>) target_semaphore(%arg16 : memref<!tpu.dma_semaphore, #tpu.memory_space<semaphore_mem>>)
    tpu.enqueue_dma source(%arg6 : memref<1000xf32, #tpu.memory_space<hbm>>) target(%arg9 : memref<1000xf32, #tpu.memory_space<vmem>>) target_semaphore(%arg16 : memref<!tpu.dma_semaphore, #tpu.memory_space<semaphore_mem>>)
    %dma_start3A = tpu.memref_slice %arg3[%mul3A_2] : memref<16384xi32, #tpu.memory_space<hbm>> -> memref<512xi32, #tpu.memory_space<hbm>>
    %dma_start3A_3 = tpu.memref_slice %arg3[%mul3A_2] : memref<16384xi32, #tpu.memory_space<hbm>> -> memref<512xi32, #tpu.memory_space<hbm>>
    tpu.enqueue_dma source(%dma_start3A_3 : memref<512xi32, #tpu.memory_space<hbm>>) target(%arg10 : memref<512xi32, #tpu.memory_space<vmem>>) target_semaphore(%arg16 : memref<!tpu.dma_semaphore, #tpu.memory_space<semaphore_mem>>)
    %add3A_4 = arith.constant 0 : i32
    %add3A_5 = arith.addi %mul3A_2, %add3A_4 : i32
    %dma_start3A_6 = arith.constant 0 : i32
    %dma_start3A_7 = arith.constant 0 : i32
    %dma_start3A_8 = arith.constant 0 : i32
    %dma_start3A_9 = arith.constant 0 : i32
    %dma_start3A_10 = tpu.memref_slice %arg13[%dma_start3A_6, %dma_start3A_8, %dma_start3A_9] : memref<2x128x128xf32, #tpu.memory_space<vmem>> -> memref<1x128x128xf32, #tpu.memory_space<vmem>>
    %dma_start3A_11 = tpu.memref_squeeze %dma_start3A_10 : memref<1x128x128xf32, #tpu.memory_space<vmem>> -> memref<128x128xf32, #tpu.memory_space<vmem>>
    %dma_start3A_12 = arith.constant 0 : i32
    %dma_start3A_13 = tpu.memref_slice %arg2[%add3A_5, %dma_start3A_12] : memref<16384x128xf32, #tpu.memory_space<hbm>> -> memref<128x128xf32, #tpu.memory_space<hbm>>
    %dma_start3A_14 = tpu.memref_slice %arg17[%dma_start3A_7] : memref<2x!tpu.dma_semaphore, #tpu.memory_space<semaphore_mem>> -> memref<1x!tpu.dma_semaphore, #tpu.memory_space<semaphore_mem>>
    %dma_start3A_15 = tpu.memref_squeeze %dma_start3A_14 : memref<1x!tpu.dma_semaphore, #tpu.memory_space<semaphore_mem>> -> memref<!tpu.dma_semaphore, #tpu.memory_space<semaphore_mem>>
    %dma_start3A_16 = arith.constant 0 : i32
    %dma_start3A_17 = arith.constant 0 : i32
    %dma_start3A_18 = tpu.memref_slice %arg13[%dma_start3A_6, %dma_start3A_16, %dma_start3A_17] : memref<2x128x128xf32, #tpu.memory_space<vmem>> -> memref<1x128x128xf32, #tpu.memory_space<vmem>>
    %dma_start3A_19 = tpu.memref_squeeze %dma_start3A_18 : memref<1x128x128xf32, #tpu.memory_space<vmem>> -> memref<128x128xf32, #tpu.memory_space<vmem>>
    %dma_start3A_20 = arith.constant 0 : i32
    %dma_start3A_21 = tpu.memref_slice %arg2[%add3A_5, %dma_start3A_20] : memref<16384x128xf32, #tpu.memory_space<hbm>> -> memref<128x128xf32, #tpu.memory_space<hbm>>
    tpu.enqueue_dma source(%dma_start3A_21 : memref<128x128xf32, #tpu.memory_space<hbm>>) target(%dma_start3A_19 : memref<128x128xf32, #tpu.memory_space<vmem>>) target_semaphore(%dma_start3A_15 : memref<!tpu.dma_semaphore, #tpu.memory_space<semaphore_mem>>)
    %dma_start3A_22 = arith.constant 0 : i32
    %dma_start3A_23 = arith.constant 0 : i32
    %dma_start3A_24 = arith.constant 0 : i32
    %dma_start3A_25 = arith.constant 0 : i32
    %dma_start3A_26 = tpu.memref_slice %arg14[%dma_start3A_22, %dma_start3A_24, %dma_start3A_25] : memref<2x128x128xf32, #tpu.memory_space<vmem>> -> memref<1x128x128xf32, #tpu.memory_space<vmem>>
    %dma_start3A_27 = tpu.memref_squeeze %dma_start3A_26 : memref<1x128x128xf32, #tpu.memory_space<vmem>> -> memref<128x128xf32, #tpu.memory_space<vmem>>
    %dma_start3A_28 = arith.constant 0 : i32
    %dma_start3A_29 = tpu.memref_slice %arg4[%add3A_5, %dma_start3A_28] : memref<16384x128xf32, #tpu.memory_space<hbm>> -> memref<128x128xf32, #tpu.memory_space<hbm>>
    %dma_start3A_30 = tpu.memref_slice %arg17[%dma_start3A_23] : memref<2x!tpu.dma_semaphore, #tpu.memory_space<semaphore_mem>> -> memref<1x!tpu.dma_semaphore, #tpu.memory_space<semaphore_mem>>
    %dma_start3A_31 = tpu.memref_squeeze %dma_start3A_30 : memref<1x!tpu.dma_semaphore, #tpu.memory_space<semaphore_mem>> -> memref<!tpu.dma_semaphore, #tpu.memory_space<semaphore_mem>>
    %dma_start3A_32 = arith.constant 0 : i32
    %dma_start3A_33 = arith.constant 0 : i32
    %dma_start3A_34 = tpu.memref_slice %arg14[%dma_start3A_22, %dma_start3A_32, %dma_start3A_33] : memref<2x128x128xf32, #tpu.memory_space<vmem>> -> memref<1x128x128xf32, #tpu.memory_space<vmem>>
    %dma_start3A_35 = tpu.memref_squeeze %dma_start3A_34 : memref<1x128x128xf32, #tpu.memory_space<vmem>> -> memref<128x128xf32, #tpu.memory_space<vmem>>
    %dma_start3A_36 = arith.constant 0 : i32
    %dma_start3A_37 = tpu.memref_slice %arg4[%add3A_5, %dma_start3A_36] : memref<16384x128xf32, #tpu.memory_space<hbm>> -> memref<128x128xf32, #tpu.memory_space<hbm>>
    tpu.enqueue_dma source(%dma_start3A_37 : memref<128x128xf32, #tpu.memory_space<hbm>>) target(%dma_start3A_35 : memref<128x128xf32, #tpu.memory_space<vmem>>) target_semaphore(%dma_start3A_31 : memref<!tpu.dma_semaphore, #tpu.memory_space<semaphore_mem>>)
    tpu.wait_dma2 semaphore(%arg16 : memref<!tpu.dma_semaphore, #tpu.memory_space<semaphore_mem>>) src(%arg5 : memref<1000xf32, #tpu.memory_space<hbm>>) dst(%arg8 : memref<1000xf32, #tpu.memory_space<vmem>>)
    tpu.wait_dma2 semaphore(%arg16 : memref<!tpu.dma_semaphore, #tpu.memory_space<semaphore_mem>>) src(%arg6 : memref<1000xf32, #tpu.memory_space<hbm>>) dst(%arg9 : memref<1000xf32, #tpu.memory_space<vmem>>)
    %dma_wait3A = tpu.memref_slice %arg3[%mul3A_2] : memref<16384xi32, #tpu.memory_space<hbm>> -> memref<512xi32, #tpu.memory_space<hbm>>
    %dma_wait3A_38 = tpu.memref_slice %arg3[%mul3A_2] : memref<16384xi32, #tpu.memory_space<hbm>> -> memref<512xi32, #tpu.memory_space<hbm>>
    tpu.wait_dma2 semaphore(%arg16 : memref<!tpu.dma_semaphore, #tpu.memory_space<semaphore_mem>>) src(%dma_wait3A_38 : memref<512xi32, #tpu.memory_space<hbm>>) dst(%arg10 : memref<512xi32, #tpu.memory_space<vmem>>)
    %scan3A = arith.constant 0 : i32
    %scan3A_39 = arith.constant 0 : i32
    %scan3A_40 = arith.constant 32 : i32
    %scan3A_41 = arith.addi %scan3A_39, %scan3A_40 : i32
    %scan3A_42 = arith.constant 1 : i32
    %scan3A_43 = scf.for %scan3A_122 = %scan3A_39 to %scan3A_41 step %scan3A_42 iter_args(%scan3A_123 = %scan3A) -> (i32)  : i32 {
      %mul3A_124 = arith.constant 16 : i32
      %mul3A_125 = arith.muli %scan3A_122, %mul3A_124 : i32
      %get3A = arith.index_cast %mul3A_125 : i32 to index
      %get3A_126 = tpu.vector_load %arg10[%get3A] {strides = array<i32>} : memref<512xi32, #tpu.memory_space<vmem>>, vector<16xi32>,
      %gather3A = tpu.vector_load_idx %arg8[%get3A_126] : memref<1000xf32, #tpu.memory_space<vmem>>[vector<16xi32>], vector<16xf32>,
      %swap3A = arith.index_cast %mul3A_125 : i32 to index
      %swap3A_127 = tpu.vector_load %arg11[%swap3A] {strides = array<i32>} : memref<512xf32, #tpu.memory_space<vmem>>, vector<16xf32>,
      tpu.vector_store %arg11[%swap3A], %gather3A {strides = array<i32>} : memref<512xf32, #tpu.memory_space<vmem>>, vector<16xf32>,
      %gather3A_128 = tpu.vector_load_idx %arg9[%get3A_126] : memref<1000xf32, #tpu.memory_space<vmem>>[vector<16xi32>], vector<16xf32>,
      %swap3A_129 = arith.index_cast %mul3A_125 : i32 to index
      %swap3A_130 = tpu.vector_load %arg12[%swap3A_129] {strides = array<i32>} : memref<512xf32, #tpu.memory_space<vmem>>, vector<16xf32>,
      tpu.vector_store %arg12[%swap3A_129], %gather3A_128 {strides = array<i32>} : memref<512xf32, #tpu.memory_space<vmem>>, vector<16xf32>,
      %scan3A_131 = arith.constant 0 : i32
      scf.yield %scan3A_131 : i32
    }
    %scan3A_44 = arith.constant 32 : i32
    %add3A_45 = arith.constant 128 : i32
    %add3A_46 = arith.addi %mul3A_2, %add3A_45 : i32
    %dma_start3A_47 = arith.constant 1 : i32
    %dma_start3A_48 = arith.constant 1 : i32
    %dma_start3A_49 = arith.constant 0 : i32
    %dma_start3A_50 = arith.constant 0 : i32
    %dma_start3A_51 = tpu.memref_slice %arg13[%dma_start3A_47, %dma_start3A_49, %dma_start3A_50] : memref<2x128x128xf32, #tpu.memory_space<vmem>> -> memref<1x128x128xf32, #tpu.memory_space<vmem>>
    %dma_start3A_52 = tpu.memref_squeeze %dma_start3A_51 : memref<1x128x128xf32, #tpu.memory_space<vmem>> -> memref<128x128xf32, #tpu.memory_space<vmem>>
    %dma_start3A_53 = arith.constant 0 : i32
    %dma_start3A_54 = tpu.memref_slice %arg2[%add3A_46, %dma_start3A_53] : memref<16384x128xf32, #tpu.memory_space<hbm>> -> memref<128x128xf32, #tpu.memory_space<hbm>>
    %dma_start3A_55 = tpu.memref_slice %arg17[%dma_start3A_48] : memref<2x!tpu.dma_semaphore, #tpu.memory_space<semaphore_mem>> -> memref<1x!tpu.dma_semaphore, #tpu.memory_space<semaphore_mem>>
    %dma_start3A_56 = tpu.memref_squeeze %dma_start3A_55 : memref<1x!tpu.dma_semaphore, #tpu.memory_space<semaphore_mem>> -> memref<!tpu.dma_semaphore, #tpu.memory_space<semaphore_mem>>
    %dma_start3A_57 = arith.constant 0 : i32
    %dma_start3A_58 = arith.constant 0 : i32
    %dma_start3A_59 = tpu.memref_slice %arg13[%dma_start3A_47, %dma_start3A_57, %dma_start3A_58] : memref<2x128x128xf32, #tpu.memory_space<vmem>> -> memref<1x128x128xf32, #tpu.memory_space<vmem>>
    %dma_start3A_60 = tpu.memref_squeeze %dma_start3A_59 : memref<1x128x128xf32, #tpu.memory_space<vmem>> -> memref<128x128xf32, #tpu.memory_space<vmem>>
    %dma_start3A_61 = arith.constant 0 : i32
    %dma_start3A_62 = tpu.memref_slice %arg2[%add3A_46, %dma_start3A_61] : memref<16384x128xf32, #tpu.memory_space<hbm>> -> memref<128x128xf32, #tpu.memory_space<hbm>>
    tpu.enqueue_dma source(%dma_start3A_62 : memref<128x128xf32, #tpu.memory_space<hbm>>) target(%dma_start3A_60 : memref<128x128xf32, #tpu.memory_space<vmem>>) target_semaphore(%dma_start3A_56 : memref<!tpu.dma_semaphore, #tpu.memory_space<semaphore_mem>>)
    %dma_start3A_63 = arith.constant 1 : i32
    %dma_start3A_64 = arith.constant 1 : i32
    %dma_start3A_65 = arith.constant 0 : i32
    %dma_start3A_66 = arith.constant 0 : i32
    %dma_start3A_67 = tpu.memref_slice %arg14[%dma_start3A_63, %dma_start3A_65, %dma_start3A_66] : memref<2x128x128xf32, #tpu.memory_space<vmem>> -> memref<1x128x128xf32, #tpu.memory_space<vmem>>
    %dma_start3A_68 = tpu.memref_squeeze %dma_start3A_67 : memref<1x128x128xf32, #tpu.memory_space<vmem>> -> memref<128x128xf32, #tpu.memory_space<vmem>>
    %dma_start3A_69 = arith.constant 0 : i32
    %dma_start3A_70 = tpu.memref_slice %arg4[%add3A_46, %dma_start3A_69] : memref<16384x128xf32, #tpu.memory_space<hbm>> -> memref<128x128xf32, #tpu.memory_space<hbm>>
    %dma_start3A_71 = tpu.memref_slice %arg17[%dma_start3A_64] : memref<2x!tpu.dma_semaphore, #tpu.memory_space<semaphore_mem>> -> memref<1x!tpu.dma_semaphore, #tpu.memory_space<semaphore_mem>>
    %dma_start3A_72 = tpu.memref_squeeze %dma_start3A_71 : memref<1x!tpu.dma_semaphore, #tpu.memory_space<semaphore_mem>> -> memref<!tpu.dma_semaphore, #tpu.memory_space<semaphore_mem>>
    %dma_start3A_73 = arith.constant 0 : i32
    %dma_start3A_74 = arith.constant 0 : i32
    %dma_start3A_75 = tpu.memref_slice %arg14[%dma_start3A_63, %dma_start3A_73, %dma_start3A_74] : memref<2x128x128xf32, #tpu.memory_space<vmem>> -> memref<1x128x128xf32, #tpu.memory_space<vmem>>
    %dma_start3A_76 = tpu.memref_squeeze %dma_start3A_75 : memref<1x128x128xf32, #tpu.memory_space<vmem>> -> memref<128x128xf32, #tpu.memory_space<vmem>>
    %dma_start3A_77 = arith.constant 0 : i32
    %dma_start3A_78 = tpu.memref_slice %arg4[%add3A_46, %dma_start3A_77] : memref<16384x128xf32, #tpu.memory_space<hbm>> -> memref<128x128xf32, #tpu.memory_space<hbm>>
    tpu.enqueue_dma source(%dma_start3A_78 : memref<128x128xf32, #tpu.memory_space<hbm>>) target(%dma_start3A_76 : memref<128x128xf32, #tpu.memory_space<vmem>>) target_semaphore(%dma_start3A_72 : memref<!tpu.dma_semaphore, #tpu.memory_space<semaphore_mem>>)
    %scan3A_79 = arith.constant 0 : i32
    %scan3A_80 = arith.constant 0 : i32
    %scan3A_81 = arith.constant 2 : i32
    %scan3A_82 = arith.addi %scan3A_80, %scan3A_81 : i32
    %scan3A_83 = arith.constant 1 : i32
    %scan3A_84 = scf.for %scan3A_122 = %scan3A_80 to %scan3A_82 step %scan3A_83 iter_args(%scan3A_123 = %scan3A_79) -> (i32)  : i32 {
      %mul3A_124 = arith.constant 2 : i32
      %mul3A_125 = arith.muli %mul3A_124, %scan3A_122 : i32
      %add3A_126 = arith.constant 0 : i32
      %add3A_127 = arith.addi %mul3A_125, %add3A_126 : i32
      %mul3A_128 = arith.constant 128 : i32
      %mul3A_129 = arith.muli %add3A_127, %mul3A_128 : i32
      %add3A_130 = arith.addi %mul3A_2, %mul3A_129 : i32
      %dma_wait3A_131 = arith.constant 0 : i32
      %dma_wait3A_132 = arith.constant 0 : i32
      %dma_wait3A_133 = arith.constant 0 : i32
      %dma_wait3A_134 = arith.constant 0 : i32
      %dma_wait3A_135 = tpu.memref_slice %arg13[%dma_wait3A_131, %dma_wait3A_133, %dma_wait3A_134] : memref<2x128x128xf32, #tpu.memory_space<vmem>> -> memref<1x128x128xf32, #tpu.memory_space<vmem>>
      %dma_wait3A_136 = tpu.memref_squeeze %dma_wait3A_135 : memref<1x128x128xf32, #tpu.memory_space<vmem>> -> memref<128x128xf32, #tpu.memory_space<vmem>>
      %dma_wait3A_137 = arith.constant 0 : i32
      %dma_wait3A_138 = tpu.memref_slice %arg2[%add3A_130, %dma_wait3A_137] : memref<16384x128xf32, #tpu.memory_space<hbm>> -> memref<128x128xf32, #tpu.memory_space<hbm>>
      %dma_wait3A_139 = tpu.memref_slice %arg17[%dma_wait3A_132] : memref<2x!tpu.dma_semaphore, #tpu.memory_space<semaphore_mem>> -> memref<1x!tpu.dma_semaphore, #tpu.memory_space<semaphore_mem>>
      %dma_wait3A_140 = tpu.memref_squeeze %dma_wait3A_139 : memref<1x!tpu.dma_semaphore, #tpu.memory_space<semaphore_mem>> -> memref<!tpu.dma_semaphore, #tpu.memory_space<semaphore_mem>>
      %dma_wait3A_141 = arith.constant 0 : i32
      %dma_wait3A_142 = arith.constant 0 : i32
      %dma_wait3A_143 = tpu.memref_slice %arg13[%dma_wait3A_131, %dma_wait3A_141, %dma_wait3A_142] : memref<2x128x128xf32, #tpu.memory_space<vmem>> -> memref<1x128x128xf32, #tpu.memory_space<vmem>>
      %dma_wait3A_144 = tpu.memref_squeeze %dma_wait3A_143 : memref<1x128x128xf32, #tpu.memory_space<vmem>> -> memref<128x128xf32, #tpu.memory_space<vmem>>
      %dma_wait3A_145 = arith.constant 0 : i32
      %dma_wait3A_146 = tpu.memref_slice %arg2[%add3A_130, %dma_wait3A_145] : memref<16384x128xf32, #tpu.memory_space<hbm>> -> memref<128x128xf32, #tpu.memory_space<hbm>>
      tpu.wait_dma2 semaphore(%dma_wait3A_140 : memref<!tpu.dma_semaphore, #tpu.memory_space<semaphore_mem>>) src(%dma_wait3A_146 : memref<128x128xf32, #tpu.memory_space<hbm>>) dst(%dma_wait3A_144 : memref<128x128xf32, #tpu.memory_space<vmem>>)
      %dma_wait3A_147 = arith.constant 0 : i32
      %dma_wait3A_148 = arith.constant 0 : i32
      %dma_wait3A_149 = arith.constant 0 : i32
      %dma_wait3A_150 = arith.constant 0 : i32
      %dma_wait3A_151 = tpu.memref_slice %arg14[%dma_wait3A_147, %dma_wait3A_149, %dma_wait3A_150] : memref<2x128x128xf32, #tpu.memory_space<vmem>> -> memref<1x128x128xf32, #tpu.memory_space<vmem>>
      %dma_wait3A_152 = tpu.memref_squeeze %dma_wait3A_151 : memref<1x128x128xf32, #tpu.memory_space<vmem>> -> memref<128x128xf32, #tpu.memory_space<vmem>>
      %dma_wait3A_153 = arith.constant 0 : i32
      %dma_wait3A_154 = tpu.memref_slice %arg4[%add3A_130, %dma_wait3A_153] : memref<16384x128xf32, #tpu.memory_space<hbm>> -> memref<128x128xf32, #tpu.memory_space<hbm>>
      %dma_wait3A_155 = tpu.memref_slice %arg17[%dma_wait3A_148] : memref<2x!tpu.dma_semaphore, #tpu.memory_space<semaphore_mem>> -> memref<1x!tpu.dma_semaphore, #tpu.memory_space<semaphore_mem>>
      %dma_wait3A_156 = tpu.memref_squeeze %dma_wait3A_155 : memref<1x!tpu.dma_semaphore, #tpu.memory_space<semaphore_mem>> -> memref<!tpu.dma_semaphore, #tpu.memory_space<semaphore_mem>>
      %dma_wait3A_157 = arith.constant 0 : i32
      %dma_wait3A_158 = arith.constant 0 : i32
      %dma_wait3A_159 = tpu.memref_slice %arg14[%dma_wait3A_147, %dma_wait3A_157, %dma_wait3A_158] : memref<2x128x128xf32, #tpu.memory_space<vmem>> -> memref<1x128x128xf32, #tpu.memory_space<vmem>>
      %dma_wait3A_160 = tpu.memref_squeeze %dma_wait3A_159 : memref<1x128x128xf32, #tpu.memory_space<vmem>> -> memref<128x128xf32, #tpu.memory_space<vmem>>
      %dma_wait3A_161 = arith.constant 0 : i32
      %dma_wait3A_162 = tpu.memref_slice %arg4[%add3A_130, %dma_wait3A_161] : memref<16384x128xf32, #tpu.memory_space<hbm>> -> memref<128x128xf32, #tpu.memory_space<hbm>>
      tpu.wait_dma2 semaphore(%dma_wait3A_156 : memref<!tpu.dma_semaphore, #tpu.memory_space<semaphore_mem>>) src(%dma_wait3A_162 : memref<128x128xf32, #tpu.memory_space<hbm>>) dst(%dma_wait3A_160 : memref<128x128xf32, #tpu.memory_space<vmem>>)
      %ge3A = arith.constant 1 : i32
      %ge3A_163 = arith.cmpi sge, %scan3A_122, %ge3A : i32
      %convert_element_type3A = arith.extui %ge3A_163 : i1 to i32
      %cond3A = arith.constant 0 : i32
      %cond3A_164 = arith.cmpi ne, %convert_element_type3A, %cond3A : i32
      scf.if %cond3A_164 {
        %sub3A = arith.constant 2 : i32
        %sub3A_277 = arith.subi %add3A_127, %sub3A : i32
        %mul3A_278 = arith.constant 128 : i32
        %mul3A_279 = arith.muli %sub3A_277, %mul3A_278 : i32
        %add3A_280 = arith.addi %mul3A_2, %mul3A_279 : i32
        %dma_wait3A_281 = arith.constant 0 : i32
        %dma_wait3A_282 = arith.constant 0 : i32
        %dma_wait3A_283 = arith.constant 0 : i32
        %dma_wait3A_284 = arith.constant 0 : i32
        %dma_wait3A_285 = tpu.memref_slice %arg15[%dma_wait3A_281, %dma_wait3A_283, %dma_wait3A_284] : memref<2x128x128xf32, #tpu.memory_space<vmem>> -> memref<1x128x128xf32, #tpu.memory_space<vmem>>
        %dma_wait3A_286 = tpu.memref_squeeze %dma_wait3A_285 : memref<1x128x128xf32, #tpu.memory_space<vmem>> -> memref<128x128xf32, #tpu.memory_space<vmem>>
        %dma_wait3A_287 = arith.constant 0 : i32
        %dma_wait3A_288 = tpu.memref_slice %arg7[%add3A_280, %dma_wait3A_287] : memref<16384x128xf32, #tpu.memory_space<hbm>> -> memref<128x128xf32, #tpu.memory_space<hbm>>
        %dma_wait3A_289 = tpu.memref_slice %arg18[%dma_wait3A_282] : memref<2x!tpu.dma_semaphore, #tpu.memory_space<semaphore_mem>> -> memref<1x!tpu.dma_semaphore, #tpu.memory_space<semaphore_mem>>
        %dma_wait3A_290 = tpu.memref_squeeze %dma_wait3A_289 : memref<1x!tpu.dma_semaphore, #tpu.memory_space<semaphore_mem>> -> memref<!tpu.dma_semaphore, #tpu.memory_space<semaphore_mem>>
        %dma_wait3A_291 = arith.constant 0 : i32
        %dma_wait3A_292 = tpu.memref_slice %arg7[%add3A_280, %dma_wait3A_291] : memref<16384x128xf32, #tpu.memory_space<hbm>> -> memref<128x128xf32, #tpu.memory_space<hbm>>
        %dma_wait3A_293 = arith.constant 0 : i32
        %dma_wait3A_294 = arith.constant 0 : i32
        %dma_wait3A_295 = tpu.memref_slice %arg15[%dma_wait3A_281, %dma_wait3A_293, %dma_wait3A_294] : memref<2x128x128xf32, #tpu.memory_space<vmem>> -> memref<1x128x128xf32, #tpu.memory_space<vmem>>
        %dma_wait3A_296 = tpu.memref_squeeze %dma_wait3A_295 : memref<1x128x128xf32, #tpu.memory_space<vmem>> -> memref<128x128xf32, #tpu.memory_space<vmem>>
        tpu.wait_dma2 semaphore(%dma_wait3A_290 : memref<!tpu.dma_semaphore, #tpu.memory_space<semaphore_mem>>) src(%dma_wait3A_296 : memref<128x128xf32, #tpu.memory_space<vmem>>) dst(%dma_wait3A_292 : memref<128x128xf32, #tpu.memory_space<hbm>>)
      } else {
      }
      %scan3A_165 = arith.constant 0 : i32
      %scan3A_166 = arith.constant 0 : i32
      %scan3A_167 = arith.constant 0 : i32
      %scan3A_168 = arith.constant 0 : i32
      %scan3A_169 = arith.constant 0 : i32
      %scan3A_170 = arith.constant 128 : i32
      %scan3A_171 = arith.addi %scan3A_169, %scan3A_170 : i32
      %scan3A_172 = arith.constant 1 : i32
      %scan3A_173 = scf.for %scan3A_277 = %scan3A_169 to %scan3A_171 step %scan3A_172 iter_args(%scan3A_278 = %scan3A_168) -> (i32)  : i32 {
        %mul3A_279 = arith.constant 128 : i32
        %mul3A_280 = arith.muli %add3A_127, %mul3A_279 : i32
        %add3A_281 = arith.addi %mul3A_280, %scan3A_277 : i32
        %broadcast_in_dim3A = vector.broadcast %add3A_281 : i32 to vector<16xi32>
        %gather3A = tpu.vector_load_idx %arg11[%broadcast_in_dim3A] : memref<512xf32, #tpu.memory_space<vmem>>[vector<16xi32>], vector<16xf32>,
        %gather3A_282 = tpu.vector_load_idx %arg12[%broadcast_in_dim3A] : memref<512xf32, #tpu.memory_space<vmem>>[vector<16xi32>], vector<16xf32>,
        %get3A = arith.constant 0 : i32
        %get3A_283 = arith.constant 0 : i32
        %get3A_284 = tpu.memref_slice %arg13[%scan3A_165, %get3A, %get3A_283] : memref<2x128x128xf32, #tpu.memory_space<vmem>> -> memref<1x128x128xf32, #tpu.memory_space<vmem>>
        %get3A_285 = tpu.memref_squeeze %get3A_284 : memref<1x128x128xf32, #tpu.memory_space<vmem>> -> memref<128x128xf32, #tpu.memory_space<vmem>>
        %get3A_286 = arith.constant 0 : i32
        %get3A_287 = tpu.memref_slice %get3A_285[%scan3A_277, %get3A_286] : memref<128x128xf32, #tpu.memory_space<vmem>> -> memref<1x128xf32, #tpu.memory_space<vmem>>
        %get3A_288 = tpu.memref_squeeze %get3A_287 : memref<1x128xf32, #tpu.memory_space<vmem>> -> memref<128xf32, #tpu.memory_space<vmem>>
        %get3A_289 = arith.constant 0 : index
        %get3A_290 = tpu.vector_load %get3A_288[%get3A_289] {strides = array<i32>} : memref<128xf32, #tpu.memory_space<vmem>>, vector<16xf32>,
        %mul3A_291 = arith.mulf %gather3A, %get3A_290 : vector<16xf32>
        %get3A_292 = arith.constant 0 : i32
        %get3A_293 = arith.constant 0 : i32
        %get3A_294 = tpu.memref_slice %arg14[%scan3A_166, %get3A_292, %get3A_293] : memref<2x128x128xf32, #tpu.memory_space<vmem>> -> memref<1x128x128xf32, #tpu.memory_space<vmem>>
        %get3A_295 = tpu.memref_squeeze %get3A_294 : memref<1x128x128xf32, #tpu.memory_space<vmem>> -> memref<128x128xf32, #tpu.memory_space<vmem>>
        %get3A_296 = arith.constant 0 : i32
        %get3A_297 = tpu.memref_slice %get3A_295[%scan3A_277, %get3A_296] : memref<128x128xf32, #tpu.memory_space<vmem>> -> memref<1x128xf32, #tpu.memory_space<vmem>>
        %get3A_298 = tpu.memref_squeeze %get3A_297 : memref<1x128xf32, #tpu.memory_space<vmem>> -> memref<128xf32, #tpu.memory_space<vmem>>
        %get3A_299 = arith.constant 0 : index
        %get3A_300 = tpu.vector_load %get3A_298[%get3A_299] {strides = array<i32>} : memref<128xf32, #tpu.memory_space<vmem>>, vector<16xf32>,
        %mul3A_301 = arith.mulf %gather3A_282, %get3A_300 : vector<16xf32>
        %add3A_302 = arith.addf %mul3A_291, %mul3A_301 : vector<16xf32>
        %swap3A = arith.constant 0 : i32
        %swap3A_303 = arith.constant 0 : i32
        %swap3A_304 = tpu.memref_slice %arg15[%scan3A_167, %swap3A, %swap3A_303] : memref<2x128x128xf32, #tpu.memory_space<vmem>> -> memref<1x128x128xf32, #tpu.memory_space<vmem>>
        %swap3A_305 = tpu.memref_squeeze %swap3A_304 : memref<1x128x128xf32, #tpu.memory_space<vmem>> -> memref<128x128xf32, #tpu.memory_space<vmem>>
        %swap3A_306 = arith.constant 0 : i32
        %swap3A_307 = tpu.memref_slice %swap3A_305[%scan3A_277, %swap3A_306] : memref<128x128xf32, #tpu.memory_space<vmem>> -> memref<1x128xf32, #tpu.memory_space<vmem>>
        %swap3A_308 = tpu.memref_squeeze %swap3A_307 : memref<1x128xf32, #tpu.memory_space<vmem>> -> memref<128xf32, #tpu.memory_space<vmem>>
        %swap3A_309 = arith.constant 0 : index
        %swap3A_310 = tpu.vector_load %swap3A_308[%swap3A_309] {strides = array<i32>} : memref<128xf32, #tpu.memory_space<vmem>>, vector<16xf32>,
        tpu.vector_store %swap3A_308[%swap3A_309], %add3A_302 {strides = array<i32>} : memref<128xf32, #tpu.memory_space<vmem>>, vector<16xf32>,
        %get3A_311 = arith.constant 0 : i32
        %get3A_312 = arith.constant 0 : i32
        %get3A_313 = tpu.memref_slice %arg13[%scan3A_165, %get3A_311, %get3A_312] : memref<2x128x128xf32, #tpu.memory_space<vmem>> -> memref<1x128x128xf32, #tpu.memory_space<vmem>>
        %get3A_314 = tpu.memref_squeeze %get3A_313 : memref<1x128x128xf32, #tpu.memory_space<vmem>> -> memref<128x128xf32, #tpu.memory_space<vmem>>
        %get3A_315 = arith.constant 0 : i32
        %get3A_316 = tpu.memref_slice %get3A_314[%scan3A_277, %get3A_315] : memref<128x128xf32, #tpu.memory_space<vmem>> -> memref<1x128xf32, #tpu.memory_space<vmem>>
        %get3A_317 = tpu.memref_squeeze %get3A_316 : memref<1x128xf32, #tpu.memory_space<vmem>> -> memref<128xf32, #tpu.memory_space<vmem>>
        %get3A_318 = arith.constant 16 : index
        %get3A_319 = tpu.vector_load %get3A_317[%get3A_318] {strides = array<i32>} : memref<128xf32, #tpu.memory_space<vmem>>, vector<16xf32>,
        %mul3A_320 = arith.mulf %gather3A, %get3A_319 : vector<16xf32>
        %get3A_321 = arith.constant 0 : i32
        %get3A_322 = arith.constant 0 : i32
        %get3A_323 = tpu.memref_slice %arg14[%scan3A_166, %get3A_321, %get3A_322] : memref<2x128x128xf32, #tpu.memory_space<vmem>> -> memref<1x128x128xf32, #tpu.memory_space<vmem>>
        %get3A_324 = tpu.memref_squeeze %get3A_323 : memref<1x128x128xf32, #tpu.memory_space<vmem>> -> memref<128x128xf32, #tpu.memory_space<vmem>>
        %get3A_325 = arith.constant 0 : i32
        %get3A_326 = tpu.memref_slice %get3A_324[%scan3A_277, %get3A_325] : memref<128x128xf32, #tpu.memory_space<vmem>> -> memref<1x128xf32, #tpu.memory_space<vmem>>
        %get3A_327 = tpu.memref_squeeze %get3A_326 : memref<1x128xf32, #tpu.memory_space<vmem>> -> memref<128xf32, #tpu.memory_space<vmem>>
        %get3A_328 = arith.constant 16 : index
        %get3A_329 = tpu.vector_load %get3A_327[%get3A_328] {strides = array<i32>} : memref<128xf32, #tpu.memory_space<vmem>>, vector<16xf32>,
        %mul3A_330 = arith.mulf %gather3A_282, %get3A_329 : vector<16xf32>
        %add3A_331 = arith.addf %mul3A_320, %mul3A_330 : vector<16xf32>
        %swap3A_332 = arith.constant 0 : i32
        %swap3A_333 = arith.constant 0 : i32
        %swap3A_334 = tpu.memref_slice %arg15[%scan3A_167, %swap3A_332, %swap3A_333] : memref<2x128x128xf32, #tpu.memory_space<vmem>> -> memref<1x128x128xf32, #tpu.memory_space<vmem>>
        %swap3A_335 = tpu.memref_squeeze %swap3A_334 : memref<1x128x128xf32, #tpu.memory_space<vmem>> -> memref<128x128xf32, #tpu.memory_space<vmem>>
        %swap3A_336 = arith.constant 0 : i32
        %swap3A_337 = tpu.memref_slice %swap3A_335[%scan3A_277, %swap3A_336] : memref<128x128xf32, #tpu.memory_space<vmem>> -> memref<1x128xf32, #tpu.memory_space<vmem>>
        %swap3A_338 = tpu.memref_squeeze %swap3A_337 : memref<1x128xf32, #tpu.memory_space<vmem>> -> memref<128xf32, #tpu.memory_space<vmem>>
        %swap3A_339 = arith.constant 16 : index
        %swap3A_340 = tpu.vector_load %swap3A_338[%swap3A_339] {strides = array<i32>} : memref<128xf32, #tpu.memory_space<vmem>>, vector<16xf32>,
        tpu.vector_store %swap3A_338[%swap3A_339], %add3A_331 {strides = array<i32>} : memref<128xf32, #tpu.memory_space<vmem>>, vector<16xf32>,
        %get3A_341 = arith.constant 0 : i32
        %get3A_342 = arith.constant 0 : i32
        %get3A_343 = tpu.memref_slice %arg13[%scan3A_165, %get3A_341, %get3A_342] : memref<2x128x128xf32, #tpu.memory_space<vmem>> -> memref<1x128x128xf32, #tpu.memory_space<vmem>>
        %get3A_344 = tpu.memref_squeeze %get3A_343 : memref<1x128x128xf32, #tpu.memory_space<vmem>> -> memref<128x128xf32, #tpu.memory_space<vmem>>
        %get3A_345 = arith.constant 0 : i32
        %get3A_346 = tpu.memref_slice %get3A_344[%scan3A_277, %get3A_345] : memref<128x128xf32, #tpu.memory_space<vmem>> -> memref<1x128xf32, #tpu.memory_space<vmem>>
        %get3A_347 = tpu.memref_squeeze %get3A_346 : memref<1x128xf32, #tpu.memory_space<vmem>> -> memref<128xf32, #tpu.memory_space<vmem>>
        %get3A_348 = arith.constant 32 : index
        %get3A_349 = tpu.vector_load %get3A_347[%get3A_348] {strides = array<i32>} : memref<128xf32, #tpu.memory_space<vmem>>, vector<16xf32>,
        %mul3A_350 = arith.mulf %gather3A, %get3A_349 : vector<16xf32>
        %get3A_351 = arith.constant 0 : i32
        %get3A_352 = arith.constant 0 : i32
        %get3A_353 = tpu.memref_slice %arg14[%scan3A_166, %get3A_351, %get3A_352] : memref<2x128x128xf32, #tpu.memory_space<vmem>> -> memref<1x128x128xf32, #tpu.memory_space<vmem>>
        %get3A_354 = tpu.memref_squeeze %get3A_353 : memref<1x128x128xf32, #tpu.memory_space<vmem>> -> memref<128x128xf32, #tpu.memory_space<vmem>>
        %get3A_355 = arith.constant 0 : i32
        %get3A_356 = tpu.memref_slice %get3A_354[%scan3A_277, %get3A_355] : memref<128x128xf32, #tpu.memory_space<vmem>> -> memref<1x128xf32, #tpu.memory_space<vmem>>
        %get3A_357 = tpu.memref_squeeze %get3A_356 : memref<1x128xf32, #tpu.memory_space<vmem>> -> memref<128xf32, #tpu.memory_space<vmem>>
        %get3A_358 = arith.constant 32 : index
        %get3A_359 = tpu.vector_load %get3A_357[%get3A_358] {strides = array<i32>} : memref<128xf32, #tpu.memory_space<vmem>>, vector<16xf32>,
        %mul3A_360 = arith.mulf %gather3A_282, %get3A_359 : vector<16xf32>
        %add3A_361 = arith.addf %mul3A_350, %mul3A_360 : vector<16xf32>
        %swap3A_362 = arith.constant 0 : i32
        %swap3A_363 = arith.constant 0 : i32
        %swap3A_364 = tpu.memref_slice %arg15[%scan3A_167, %swap3A_362, %swap3A_363] : memref<2x128x128xf32, #tpu.memory_space<vmem>> -> memref<1x128x128xf32, #tpu.memory_space<vmem>>
        %swap3A_365 = tpu.memref_squeeze %swap3A_364 : memref<1x128x128xf32, #tpu.memory_space<vmem>> -> memref<128x128xf32, #tpu.memory_space<vmem>>
        %swap3A_366 = arith.constant 0 : i32
        %swap3A_367 = tpu.memref_slice %swap3A_365[%scan3A_277, %swap3A_366] : memref<128x128xf32, #tpu.memory_space<vmem>> -> memref<1x128xf32, #tpu.memory_space<vmem>>
        %swap3A_368 = tpu.memref_squeeze %swap3A_367 : memref<1x128xf32, #tpu.memory_space<vmem>> -> memref<128xf32, #tpu.memory_space<vmem>>
        %swap3A_369 = arith.constant 32 : index
        %swap3A_370 = tpu.vector_load %swap3A_368[%swap3A_369] {strides = array<i32>} : memref<128xf32, #tpu.memory_space<vmem>>, vector<16xf32>,
        tpu.vector_store %swap3A_368[%swap3A_369], %add3A_361 {strides = array<i32>} : memref<128xf32, #tpu.memory_space<vmem>>, vector<16xf32>,
        %get3A_371 = arith.constant 0 : i32
        %get3A_372 = arith.constant 0 : i32
        %get3A_373 = tpu.memref_slice %arg13[%scan3A_165, %get3A_371, %get3A_372] : memref<2x128x128xf32, #tpu.memory_space<vmem>> -> memref<1x128x128xf32, #tpu.memory_space<vmem>>
        %get3A_374 = tpu.memref_squeeze %get3A_373 : memref<1x128x128xf32, #tpu.memory_space<vmem>> -> memref<128x128xf32, #tpu.memory_space<vmem>>
        %get3A_375 = arith.constant 0 : i32
        %get3A_376 = tpu.memref_slice %get3A_374[%scan3A_277, %get3A_375] : memref<128x128xf32, #tpu.memory_space<vmem>> -> memref<1x128xf32, #tpu.memory_space<vmem>>
        %get3A_377 = tpu.memref_squeeze %get3A_376 : memref<1x128xf32, #tpu.memory_space<vmem>> -> memref<128xf32, #tpu.memory_space<vmem>>
        %get3A_378 = arith.constant 48 : index
        %get3A_379 = tpu.vector_load %get3A_377[%get3A_378] {strides = array<i32>} : memref<128xf32, #tpu.memory_space<vmem>>, vector<16xf32>,
        %mul3A_380 = arith.mulf %gather3A, %get3A_379 : vector<16xf32>
        %get3A_381 = arith.constant 0 : i32
        %get3A_382 = arith.constant 0 : i32
        %get3A_383 = tpu.memref_slice %arg14[%scan3A_166, %get3A_381, %get3A_382] : memref<2x128x128xf32, #tpu.memory_space<vmem>> -> memref<1x128x128xf32, #tpu.memory_space<vmem>>
        %get3A_384 = tpu.memref_squeeze %get3A_383 : memref<1x128x128xf32, #tpu.memory_space<vmem>> -> memref<128x128xf32, #tpu.memory_space<vmem>>
        %get3A_385 = arith.constant 0 : i32
        %get3A_386 = tpu.memref_slice %get3A_384[%scan3A_277, %get3A_385] : memref<128x128xf32, #tpu.memory_space<vmem>> -> memref<1x128xf32, #tpu.memory_space<vmem>>
        %get3A_387 = tpu.memref_squeeze %get3A_386 : memref<1x128xf32, #tpu.memory_space<vmem>> -> memref<128xf32, #tpu.memory_space<vmem>>
        %get3A_388 = arith.constant 48 : index
        %get3A_389 = tpu.vector_load %get3A_387[%get3A_388] {strides = array<i32>} : memref<128xf32, #tpu.memory_space<vmem>>, vector<16xf32>,
        %mul3A_390 = arith.mulf %gather3A_282, %get3A_389 : vector<16xf32>
        %add3A_391 = arith.addf %mul3A_380, %mul3A_390 : vector<16xf32>
        %swap3A_392 = arith.constant 0 : i32
        %swap3A_393 = arith.constant 0 : i32
        %swap3A_394 = tpu.memref_slice %arg15[%scan3A_167, %swap3A_392, %swap3A_393] : memref<2x128x128xf32, #tpu.memory_space<vmem>> -> memref<1x128x128xf32, #tpu.memory_space<vmem>>
        %swap3A_395 = tpu.memref_squeeze %swap3A_394 : memref<1x128x128xf32, #tpu.memory_space<vmem>> -> memref<128x128xf32, #tpu.memory_space<vmem>>
        %swap3A_396 = arith.constant 0 : i32
        %swap3A_397 = tpu.memref_slice %swap3A_395[%scan3A_277, %swap3A_396] : memref<128x128xf32, #tpu.memory_space<vmem>> -> memref<1x128xf32, #tpu.memory_space<vmem>>
        %swap3A_398 = tpu.memref_squeeze %swap3A_397 : memref<1x128xf32, #tpu.memory_space<vmem>> -> memref<128xf32, #tpu.memory_space<vmem>>
        %swap3A_399 = arith.constant 48 : index
        %swap3A_400 = tpu.vector_load %swap3A_398[%swap3A_399] {strides = array<i32>} : memref<128xf32, #tpu.memory_space<vmem>>, vector<16xf32>,
        tpu.vector_store %swap3A_398[%swap3A_399], %add3A_391 {strides = array<i32>} : memref<128xf32, #tpu.memory_space<vmem>>, vector<16xf32>,
        %get3A_401 = arith.constant 0 : i32
        %get3A_402 = arith.constant 0 : i32
        %get3A_403 = tpu.memref_slice %arg13[%scan3A_165, %get3A_401, %get3A_402] : memref<2x128x128xf32, #tpu.memory_space<vmem>> -> memref<1x128x128xf32, #tpu.memory_space<vmem>>
        %get3A_404 = tpu.memref_squeeze %get3A_403 : memref<1x128x128xf32, #tpu.memory_space<vmem>> -> memref<128x128xf32, #tpu.memory_space<vmem>>
        %get3A_405 = arith.constant 0 : i32
        %get3A_406 = tpu.memref_slice %get3A_404[%scan3A_277, %get3A_405] : memref<128x128xf32, #tpu.memory_space<vmem>> -> memref<1x128xf32, #tpu.memory_space<vmem>>
        %get3A_407 = tpu.memref_squeeze %get3A_406 : memref<1x128xf32, #tpu.memory_space<vmem>> -> memref<128xf32, #tpu.memory_space<vmem>>
        %get3A_408 = arith.constant 64 : index
        %get3A_409 = tpu.vector_load %get3A_407[%get3A_408] {strides = array<i32>} : memref<128xf32, #tpu.memory_space<vmem>>, vector<16xf32>,
        %mul3A_410 = arith.mulf %gather3A, %get3A_409 : vector<16xf32>
        %get3A_411 = arith.constant 0 : i32
        %get3A_412 = arith.constant 0 : i32
        %get3A_413 = tpu.memref_slice %arg14[%scan3A_166, %get3A_411, %get3A_412] : memref<2x128x128xf32, #tpu.memory_space<vmem>> -> memref<1x128x128xf32, #tpu.memory_space<vmem>>
        %get3A_414 = tpu.memref_squeeze %get3A_413 : memref<1x128x128xf32, #tpu.memory_space<vmem>> -> memref<128x128xf32, #tpu.memory_space<vmem>>
        %get3A_415 = arith.constant 0 : i32
        %get3A_416 = tpu.memref_slice %get3A_414[%scan3A_277, %get3A_415] : memref<128x128xf32, #tpu.memory_space<vmem>> -> memref<1x128xf32, #tpu.memory_space<vmem>>
        %get3A_417 = tpu.memref_squeeze %get3A_416 : memref<1x128xf32, #tpu.memory_space<vmem>> -> memref<128xf32, #tpu.memory_space<vmem>>
        %get3A_418 = arith.constant 64 : index
        %get3A_419 = tpu.vector_load %get3A_417[%get3A_418] {strides = array<i32>} : memref<128xf32, #tpu.memory_space<vmem>>, vector<16xf32>,
        %mul3A_420 = arith.mulf %gather3A_282, %get3A_419 : vector<16xf32>
        %add3A_421 = arith.addf %mul3A_410, %mul3A_420 : vector<16xf32>
        %swap3A_422 = arith.constant 0 : i32
        %swap3A_423 = arith.constant 0 : i32
        %swap3A_424 = tpu.memref_slice %arg15[%scan3A_167, %swap3A_422, %swap3A_423] : memref<2x128x128xf32, #tpu.memory_space<vmem>> -> memref<1x128x128xf32, #tpu.memory_space<vmem>>
        %swap3A_425 = tpu.memref_squeeze %swap3A_424 : memref<1x128x128xf32, #tpu.memory_space<vmem>> -> memref<128x128xf32, #tpu.memory_space<vmem>>
        %swap3A_426 = arith.constant 0 : i32
        %swap3A_427 = tpu.memref_slice %swap3A_425[%scan3A_277, %swap3A_426] : memref<128x128xf32, #tpu.memory_space<vmem>> -> memref<1x128xf32, #tpu.memory_space<vmem>>
        %swap3A_428 = tpu.memref_squeeze %swap3A_427 : memref<1x128xf32, #tpu.memory_space<vmem>> -> memref<128xf32, #tpu.memory_space<vmem>>
        %swap3A_429 = arith.constant 64 : index
        %swap3A_430 = tpu.vector_load %swap3A_428[%swap3A_429] {strides = array<i32>} : memref<128xf32, #tpu.memory_space<vmem>>, vector<16xf32>,
        tpu.vector_store %swap3A_428[%swap3A_429], %add3A_421 {strides = array<i32>} : memref<128xf32, #tpu.memory_space<vmem>>, vector<16xf32>,
        %get3A_431 = arith.constant 0 : i32
        %get3A_432 = arith.constant 0 : i32
        %get3A_433 = tpu.memref_slice %arg13[%scan3A_165, %get3A_431, %get3A_432] : memref<2x128x128xf32, #tpu.memory_space<vmem>> -> memref<1x128x128xf32, #tpu.memory_space<vmem>>
        %get3A_434 = tpu.memref_squeeze %get3A_433 : memref<1x128x128xf32, #tpu.memory_space<vmem>> -> memref<128x128xf32, #tpu.memory_space<vmem>>
        %get3A_435 = arith.constant 0 : i32
        %get3A_436 = tpu.memref_slice %get3A_434[%scan3A_277, %get3A_435] : memref<128x128xf32, #tpu.memory_space<vmem>> -> memref<1x128xf32, #tpu.memory_space<vmem>>
        %get3A_437 = tpu.memref_squeeze %get3A_436 : memref<1x128xf32, #tpu.memory_space<vmem>> -> memref<128xf32, #tpu.memory_space<vmem>>
        %get3A_438 = arith.constant 80 : index
        %get3A_439 = tpu.vector_load %get3A_437[%get3A_438] {strides = array<i32>} : memref<128xf32, #tpu.memory_space<vmem>>, vector<16xf32>,
        %mul3A_440 = arith.mulf %gather3A, %get3A_439 : vector<16xf32>
        %get3A_441 = arith.constant 0 : i32
        %get3A_442 = arith.constant 0 : i32
        %get3A_443 = tpu.memref_slice %arg14[%scan3A_166, %get3A_441, %get3A_442] : memref<2x128x128xf32, #tpu.memory_space<vmem>> -> memref<1x128x128xf32, #tpu.memory_space<vmem>>
        %get3A_444 = tpu.memref_squeeze %get3A_443 : memref<1x128x128xf32, #tpu.memory_space<vmem>> -> memref<128x128xf32, #tpu.memory_space<vmem>>
        %get3A_445 = arith.constant 0 : i32
        %get3A_446 = tpu.memref_slice %get3A_444[%scan3A_277, %get3A_445] : memref<128x128xf32, #tpu.memory_space<vmem>> -> memref<1x128xf32, #tpu.memory_space<vmem>>
        %get3A_447 = tpu.memref_squeeze %get3A_446 : memref<1x128xf32, #tpu.memory_space<vmem>> -> memref<128xf32, #tpu.memory_space<vmem>>
        %get3A_448 = arith.constant 80 : index
        %get3A_449 = tpu.vector_load %get3A_447[%get3A_448] {strides = array<i32>} : memref<128xf32, #tpu.memory_space<vmem>>, vector<16xf32>,
        %mul3A_450 = arith.mulf %gather3A_282, %get3A_449 : vector<16xf32>
        %add3A_451 = arith.addf %mul3A_440, %mul3A_450 : vector<16xf32>
        %swap3A_452 = arith.constant 0 : i32
        %swap3A_453 = arith.constant 0 : i32
        %swap3A_454 = tpu.memref_slice %arg15[%scan3A_167, %swap3A_452, %swap3A_453] : memref<2x128x128xf32, #tpu.memory_space<vmem>> -> memref<1x128x128xf32, #tpu.memory_space<vmem>>
        %swap3A_455 = tpu.memref_squeeze %swap3A_454 : memref<1x128x128xf32, #tpu.memory_space<vmem>> -> memref<128x128xf32, #tpu.memory_space<vmem>>
        %swap3A_456 = arith.constant 0 : i32
        %swap3A_457 = tpu.memref_slice %swap3A_455[%scan3A_277, %swap3A_456] : memref<128x128xf32, #tpu.memory_space<vmem>> -> memref<1x128xf32, #tpu.memory_space<vmem>>
        %swap3A_458 = tpu.memref_squeeze %swap3A_457 : memref<1x128xf32, #tpu.memory_space<vmem>> -> memref<128xf32, #tpu.memory_space<vmem>>
        %swap3A_459 = arith.constant 80 : index
        %swap3A_460 = tpu.vector_load %swap3A_458[%swap3A_459] {strides = array<i32>} : memref<128xf32, #tpu.memory_space<vmem>>, vector<16xf32>,
        tpu.vector_store %swap3A_458[%swap3A_459], %add3A_451 {strides = array<i32>} : memref<128xf32, #tpu.memory_space<vmem>>, vector<16xf32>,
        %get3A_461 = arith.constant 0 : i32
        %get3A_462 = arith.constant 0 : i32
        %get3A_463 = tpu.memref_slice %arg13[%scan3A_165, %get3A_461, %get3A_462] : memref<2x128x128xf32, #tpu.memory_space<vmem>> -> memref<1x128x128xf32, #tpu.memory_space<vmem>>
        %get3A_464 = tpu.memref_squeeze %get3A_463 : memref<1x128x128xf32, #tpu.memory_space<vmem>> -> memref<128x128xf32, #tpu.memory_space<vmem>>
        %get3A_465 = arith.constant 0 : i32
        %get3A_466 = tpu.memref_slice %get3A_464[%scan3A_277, %get3A_465] : memref<128x128xf32, #tpu.memory_space<vmem>> -> memref<1x128xf32, #tpu.memory_space<vmem>>
        %get3A_467 = tpu.memref_squeeze %get3A_466 : memref<1x128xf32, #tpu.memory_space<vmem>> -> memref<128xf32, #tpu.memory_space<vmem>>
        %get3A_468 = arith.constant 96 : index
        %get3A_469 = tpu.vector_load %get3A_467[%get3A_468] {strides = array<i32>} : memref<128xf32, #tpu.memory_space<vmem>>, vector<16xf32>,
        %mul3A_470 = arith.mulf %gather3A, %get3A_469 : vector<16xf32>
        %get3A_471 = arith.constant 0 : i32
        %get3A_472 = arith.constant 0 : i32
        %get3A_473 = tpu.memref_slice %arg14[%scan3A_166, %get3A_471, %get3A_472] : memref<2x128x128xf32, #tpu.memory_space<vmem>> -> memref<1x128x128xf32, #tpu.memory_space<vmem>>
        %get3A_474 = tpu.memref_squeeze %get3A_473 : memref<1x128x128xf32, #tpu.memory_space<vmem>> -> memref<128x128xf32, #tpu.memory_space<vmem>>
        %get3A_475 = arith.constant 0 : i32
        %get3A_476 = tpu.memref_slice %get3A_474[%scan3A_277, %get3A_475] : memref<128x128xf32, #tpu.memory_space<vmem>> -> memref<1x128xf32, #tpu.memory_space<vmem>>
        %get3A_477 = tpu.memref_squeeze %get3A_476 : memref<1x128xf32, #tpu.memory_space<vmem>> -> memref<128xf32, #tpu.memory_space<vmem>>
        %get3A_478 = arith.constant 96 : index
        %get3A_479 = tpu.vector_load %get3A_477[%get3A_478] {strides = array<i32>} : memref<128xf32, #tpu.memory_space<vmem>>, vector<16xf32>,
        %mul3A_480 = arith.mulf %gather3A_282, %get3A_479 : vector<16xf32>
        %add3A_481 = arith.addf %mul3A_470, %mul3A_480 : vector<16xf32>
        %swap3A_482 = arith.constant 0 : i32
        %swap3A_483 = arith.constant 0 : i32
        %swap3A_484 = tpu.memref_slice %arg15[%scan3A_167, %swap3A_482, %swap3A_483] : memref<2x128x128xf32, #tpu.memory_space<vmem>> -> memref<1x128x128xf32, #tpu.memory_space<vmem>>
        %swap3A_485 = tpu.memref_squeeze %swap3A_484 : memref<1x128x128xf32, #tpu.memory_space<vmem>> -> memref<128x128xf32, #tpu.memory_space<vmem>>
        %swap3A_486 = arith.constant 0 : i32
        %swap3A_487 = tpu.memref_slice %swap3A_485[%scan3A_277, %swap3A_486] : memref<128x128xf32, #tpu.memory_space<vmem>> -> memref<1x128xf32, #tpu.memory_space<vmem>>
        %swap3A_488 = tpu.memref_squeeze %swap3A_487 : memref<1x128xf32, #tpu.memory_space<vmem>> -> memref<128xf32, #tpu.memory_space<vmem>>
        %swap3A_489 = arith.constant 96 : index
        %swap3A_490 = tpu.vector_load %swap3A_488[%swap3A_489] {strides = array<i32>} : memref<128xf32, #tpu.memory_space<vmem>>, vector<16xf32>,
        tpu.vector_store %swap3A_488[%swap3A_489], %add3A_481 {strides = array<i32>} : memref<128xf32, #tpu.memory_space<vmem>>, vector<16xf32>,
        %get3A_491 = arith.constant 0 : i32
        %get3A_492 = arith.constant 0 : i32
        %get3A_493 = tpu.memref_slice %arg13[%scan3A_165, %get3A_491, %get3A_492] : memref<2x128x128xf32, #tpu.memory_space<vmem>> -> memref<1x128x128xf32, #tpu.memory_space<vmem>>
        %get3A_494 = tpu.memref_squeeze %get3A_493 : memref<1x128x128xf32, #tpu.memory_space<vmem>> -> memref<128x128xf32, #tpu.memory_space<vmem>>
        %get3A_495 = arith.constant 0 : i32
        %get3A_496 = tpu.memref_slice %get3A_494[%scan3A_277, %get3A_495] : memref<128x128xf32, #tpu.memory_space<vmem>> -> memref<1x128xf32, #tpu.memory_space<vmem>>
        %get3A_497 = tpu.memref_squeeze %get3A_496 : memref<1x128xf32, #tpu.memory_space<vmem>> -> memref<128xf32, #tpu.memory_space<vmem>>
        %get3A_498 = arith.constant 112 : index
        %get3A_499 = tpu.vector_load %get3A_497[%get3A_498] {strides = array<i32>} : memref<128xf32, #tpu.memory_space<vmem>>, vector<16xf32>,
        %mul3A_500 = arith.mulf %gather3A, %get3A_499 : vector<16xf32>
        %get3A_501 = arith.constant 0 : i32
        %get3A_502 = arith.constant 0 : i32
        %get3A_503 = tpu.memref_slice %arg14[%scan3A_166, %get3A_501, %get3A_502] : memref<2x128x128xf32, #tpu.memory_space<vmem>> -> memref<1x128x128xf32, #tpu.memory_space<vmem>>
        %get3A_504 = tpu.memref_squeeze %get3A_503 : memref<1x128x128xf32, #tpu.memory_space<vmem>> -> memref<128x128xf32, #tpu.memory_space<vmem>>
        %get3A_505 = arith.constant 0 : i32
        %get3A_506 = tpu.memref_slice %get3A_504[%scan3A_277, %get3A_505] : memref<128x128xf32, #tpu.memory_space<vmem>> -> memref<1x128xf32, #tpu.memory_space<vmem>>
        %get3A_507 = tpu.memref_squeeze %get3A_506 : memref<1x128xf32, #tpu.memory_space<vmem>> -> memref<128xf32, #tpu.memory_space<vmem>>
        %get3A_508 = arith.constant 112 : index
        %get3A_509 = tpu.vector_load %get3A_507[%get3A_508] {strides = array<i32>} : memref<128xf32, #tpu.memory_space<vmem>>, vector<16xf32>,
        %mul3A_510 = arith.mulf %gather3A_282, %get3A_509 : vector<16xf32>
        %add3A_511 = arith.addf %mul3A_500, %mul3A_510 : vector<16xf32>
        %swap3A_512 = arith.constant 0 : i32
        %swap3A_513 = arith.constant 0 : i32
        %swap3A_514 = tpu.memref_slice %arg15[%scan3A_167, %swap3A_512, %swap3A_513] : memref<2x128x128xf32, #tpu.memory_space<vmem>> -> memref<1x128x128xf32, #tpu.memory_space<vmem>>
        %swap3A_515 = tpu.memref_squeeze %swap3A_514 : memref<1x128x128xf32, #tpu.memory_space<vmem>> -> memref<128x128xf32, #tpu.memory_space<vmem>>
        %swap3A_516 = arith.constant 0 : i32
        %swap3A_517 = tpu.memref_slice %swap3A_515[%scan3A_277, %swap3A_516] : memref<128x128xf32, #tpu.memory_space<vmem>> -> memref<1x128xf32, #tpu.memory_space<vmem>>
        %swap3A_518 = tpu.memref_squeeze %swap3A_517 : memref<1x128xf32, #tpu.memory_space<vmem>> -> memref<128xf32, #tpu.memory_space<vmem>>
        %swap3A_519 = arith.constant 112 : index
        %swap3A_520 = tpu.vector_load %swap3A_518[%swap3A_519] {strides = array<i32>} : memref<128xf32, #tpu.memory_space<vmem>>, vector<16xf32>,
        tpu.vector_store %swap3A_518[%swap3A_519], %add3A_511 {strides = array<i32>} : memref<128xf32, #tpu.memory_space<vmem>>, vector<16xf32>,
        %scan3A_521 = arith.constant 0 : i32
        scf.yield %scan3A_521 : i32
      }
      %scan3A_174 = arith.constant 128 : i32
      %mul3A_175 = arith.constant 128 : i32
      %mul3A_176 = arith.muli %add3A_127, %mul3A_175 : i32
      %add3A_177 = arith.addi %mul3A_2, %mul3A_176 : i32
      %dma_start3A_178 = arith.constant 0 : i32
      %dma_start3A_179 = arith.constant 0 : i32
      %dma_start3A_180 = arith.constant 0 : i32
      %dma_start3A_181 = arith.constant 0 : i32
      %dma_start3A_182 = tpu.memref_slice %arg15[%dma_start3A_178, %dma_start3A_180, %dma_start3A_181] : memref<2x128x128xf32, #tpu.memory_space<vmem>> -> memref<1x128x128xf32, #tpu.memory_space<vmem>>
      %dma_start3A_183 = tpu.memref_squeeze %dma_start3A_182 : memref<1x128x128xf32, #tpu.memory_space<vmem>> -> memref<128x128xf32, #tpu.memory_space<vmem>>
      %dma_start3A_184 = arith.constant 0 : i32
      %dma_start3A_185 = tpu.memref_slice %arg7[%add3A_177, %dma_start3A_184] : memref<16384x128xf32, #tpu.memory_space<hbm>> -> memref<128x128xf32, #tpu.memory_space<hbm>>
      %dma_start3A_186 = tpu.memref_slice %arg18[%dma_start3A_179] : memref<2x!tpu.dma_semaphore, #tpu.memory_space<semaphore_mem>> -> memref<1x!tpu.dma_semaphore, #tpu.memory_space<semaphore_mem>>
      %dma_start3A_187 = tpu.memref_squeeze %dma_start3A_186 : memref<1x!tpu.dma_semaphore, #tpu.memory_space<semaphore_mem>> -> memref<!tpu.dma_semaphore, #tpu.memory_space<semaphore_mem>>
      %dma_start3A_188 = arith.constant 0 : i32
      %dma_start3A_189 = tpu.memref_slice %arg7[%add3A_177, %dma_start3A_188] : memref<16384x128xf32, #tpu.memory_space<hbm>> -> memref<128x128xf32, #tpu.memory_space<hbm>>
      %dma_start3A_190 = arith.constant 0 : i32
      %dma_start3A_191 = arith.constant 0 : i32
      %dma_start3A_192 = tpu.memref_slice %arg15[%dma_start3A_178, %dma_start3A_190, %dma_start3A_191] : memref<2x128x128xf32, #tpu.memory_space<vmem>> -> memref<1x128x128xf32, #tpu.memory_space<vmem>>
      %dma_start3A_193 = tpu.memref_squeeze %dma_start3A_192 : memref<1x128x128xf32, #tpu.memory_space<vmem>> -> memref<128x128xf32, #tpu.memory_space<vmem>>
      tpu.enqueue_dma source(%dma_start3A_193 : memref<128x128xf32, #tpu.memory_space<vmem>>) target(%dma_start3A_189 : memref<128x128xf32, #tpu.memory_space<hbm>>) target_semaphore(%dma_start3A_187 : memref<!tpu.dma_semaphore, #tpu.memory_space<semaphore_mem>>)
      %lt3A = arith.constant 1 : i32
      %lt3A_194 = arith.cmpi slt, %scan3A_122, %lt3A : i32
      %convert_element_type3A_195 = arith.extui %lt3A_194 : i1 to i32
      %cond3A_196 = arith.constant 0 : i32
      %cond3A_197 = arith.cmpi ne, %convert_element_type3A_195, %cond3A_196 : i32
      scf.if %cond3A_197 {
        %add3A_277 = arith.constant 2 : i32
        %add3A_278 = arith.addi %add3A_127, %add3A_277 : i32
        %mul3A_279 = arith.constant 128 : i32
        %mul3A_280 = arith.muli %add3A_278, %mul3A_279 : i32
        %add3A_281 = arith.addi %mul3A_2, %mul3A_280 : i32
        %dma_start3A_282 = arith.constant 0 : i32
        %dma_start3A_283 = arith.constant 0 : i32
        %dma_start3A_284 = arith.constant 0 : i32
        %dma_start3A_285 = arith.constant 0 : i32
        %dma_start3A_286 = tpu.memref_slice %arg13[%dma_start3A_282, %dma_start3A_284, %dma_start3A_285] : memref<2x128x128xf32, #tpu.memory_space<vmem>> -> memref<1x128x128xf32, #tpu.memory_space<vmem>>
        %dma_start3A_287 = tpu.memref_squeeze %dma_start3A_286 : memref<1x128x128xf32, #tpu.memory_space<vmem>> -> memref<128x128xf32, #tpu.memory_space<vmem>>
        %dma_start3A_288 = arith.constant 0 : i32
        %dma_start3A_289 = tpu.memref_slice %arg2[%add3A_281, %dma_start3A_288] : memref<16384x128xf32, #tpu.memory_space<hbm>> -> memref<128x128xf32, #tpu.memory_space<hbm>>
        %dma_start3A_290 = tpu.memref_slice %arg17[%dma_start3A_283] : memref<2x!tpu.dma_semaphore, #tpu.memory_space<semaphore_mem>> -> memref<1x!tpu.dma_semaphore, #tpu.memory_space<semaphore_mem>>
        %dma_start3A_291 = tpu.memref_squeeze %dma_start3A_290 : memref<1x!tpu.dma_semaphore, #tpu.memory_space<semaphore_mem>> -> memref<!tpu.dma_semaphore, #tpu.memory_space<semaphore_mem>>
        %dma_start3A_292 = arith.constant 0 : i32
        %dma_start3A_293 = arith.constant 0 : i32
        %dma_start3A_294 = tpu.memref_slice %arg13[%dma_start3A_282, %dma_start3A_292, %dma_start3A_293] : memref<2x128x128xf32, #tpu.memory_space<vmem>> -> memref<1x128x128xf32, #tpu.memory_space<vmem>>
        %dma_start3A_295 = tpu.memref_squeeze %dma_start3A_294 : memref<1x128x128xf32, #tpu.memory_space<vmem>> -> memref<128x128xf32, #tpu.memory_space<vmem>>
        %dma_start3A_296 = arith.constant 0 : i32
        %dma_start3A_297 = tpu.memref_slice %arg2[%add3A_281, %dma_start3A_296] : memref<16384x128xf32, #tpu.memory_space<hbm>> -> memref<128x128xf32, #tpu.memory_space<hbm>>
        tpu.enqueue_dma source(%dma_start3A_297 : memref<128x128xf32, #tpu.memory_space<hbm>>) target(%dma_start3A_295 : memref<128x128xf32, #tpu.memory_space<vmem>>) target_semaphore(%dma_start3A_291 : memref<!tpu.dma_semaphore, #tpu.memory_space<semaphore_mem>>)
        %dma_start3A_298 = arith.constant 0 : i32
        %dma_start3A_299 = arith.constant 0 : i32
        %dma_start3A_300 = arith.constant 0 : i32
        %dma_start3A_301 = arith.constant 0 : i32
        %dma_start3A_302 = tpu.memref_slice %arg14[%dma_start3A_298, %dma_start3A_300, %dma_start3A_301] : memref<2x128x128xf32, #tpu.memory_space<vmem>> -> memref<1x128x128xf32, #tpu.memory_space<vmem>>
        %dma_start3A_303 = tpu.memref_squeeze %dma_start3A_302 : memref<1x128x128xf32, #tpu.memory_space<vmem>> -> memref<128x128xf32, #tpu.memory_space<vmem>>
        %dma_start3A_304 = arith.constant 0 : i32
        %dma_start3A_305 = tpu.memref_slice %arg4[%add3A_281, %dma_start3A_304] : memref<16384x128xf32, #tpu.memory_space<hbm>> -> memref<128x128xf32, #tpu.memory_space<hbm>>
        %dma_start3A_306 = tpu.memref_slice %arg17[%dma_start3A_299] : memref<2x!tpu.dma_semaphore, #tpu.memory_space<semaphore_mem>> -> memref<1x!tpu.dma_semaphore, #tpu.memory_space<semaphore_mem>>
        %dma_start3A_307 = tpu.memref_squeeze %dma_start3A_306 : memref<1x!tpu.dma_semaphore, #tpu.memory_space<semaphore_mem>> -> memref<!tpu.dma_semaphore, #tpu.memory_space<semaphore_mem>>
        %dma_start3A_308 = arith.constant 0 : i32
        %dma_start3A_309 = arith.constant 0 : i32
        %dma_start3A_310 = tpu.memref_slice %arg14[%dma_start3A_298, %dma_start3A_308, %dma_start3A_309] : memref<2x128x128xf32, #tpu.memory_space<vmem>> -> memref<1x128x128xf32, #tpu.memory_space<vmem>>
        %dma_start3A_311 = tpu.memref_squeeze %dma_start3A_310 : memref<1x128x128xf32, #tpu.memory_space<vmem>> -> memref<128x128xf32, #tpu.memory_space<vmem>>
        %dma_start3A_312 = arith.constant 0 : i32
        %dma_start3A_313 = tpu.memref_slice %arg4[%add3A_281, %dma_start3A_312] : memref<16384x128xf32, #tpu.memory_space<hbm>> -> memref<128x128xf32, #tpu.memory_space<hbm>>
        tpu.enqueue_dma source(%dma_start3A_313 : memref<128x128xf32, #tpu.memory_space<hbm>>) target(%dma_start3A_311 : memref<128x128xf32, #tpu.memory_space<vmem>>) target_semaphore(%dma_start3A_307 : memref<!tpu.dma_semaphore, #tpu.memory_space<semaphore_mem>>)
      } else {
      }
      %mul3A_198 = arith.constant 2 : i32
      %mul3A_199 = arith.muli %mul3A_198, %scan3A_122 : i32
      %add3A_200 = arith.constant 1 : i32
      %add3A_201 = arith.addi %mul3A_199, %add3A_200 : i32
      %mul3A_202 = arith.constant 128 : i32
      %mul3A_203 = arith.muli %add3A_201, %mul3A_202 : i32
      %add3A_204 = arith.addi %mul3A_2, %mul3A_203 : i32
      %dma_wait3A_205 = arith.constant 1 : i32
      %dma_wait3A_206 = arith.constant 1 : i32
      %dma_wait3A_207 = arith.constant 0 : i32
      %dma_wait3A_208 = arith.constant 0 : i32
      %dma_wait3A_209 = tpu.memref_slice %arg13[%dma_wait3A_205, %dma_wait3A_207, %dma_wait3A_208] : memref<2x128x128xf32, #tpu.memory_space<vmem>> -> memref<1x128x128xf32, #tpu.memory_space<vmem>>
      %dma_wait3A_210 = tpu.memref_squeeze %dma_wait3A_209 : memref<1x128x128xf32, #tpu.memory_space<vmem>> -> memref<128x128xf32, #tpu.memory_space<vmem>>
      %dma_wait3A_211 = arith.constant 0 : i32
      %dma_wait3A_212 = tpu.memref_slice %arg2[%add3A_204, %dma_wait3A_211] : memref<16384x128xf32, #tpu.memory_space<hbm>> -> memref<128x128xf32, #tpu.memory_space<hbm>>
      %dma_wait3A_213 = tpu.memref_slice %arg17[%dma_wait3A_206] : memref<2x!tpu.dma_semaphore, #tpu.memory_space<semaphore_mem>> -> memref<1x!tpu.dma_semaphore, #tpu.memory_space<semaphore_mem>>
      %dma_wait3A_214 = tpu.memref_squeeze %dma_wait3A_213 : memref<1x!tpu.dma_semaphore, #tpu.memory_space<semaphore_mem>> -> memref<!tpu.dma_semaphore, #tpu.memory_space<semaphore_mem>>
      %dma_wait3A_215 = arith.constant 0 : i32
      %dma_wait3A_216 = arith.constant 0 : i32
      %dma_wait3A_217 = tpu.memref_slice %arg13[%dma_wait3A_205, %dma_wait3A_215, %dma_wait3A_216] : memref<2x128x128xf32, #tpu.memory_space<vmem>> -> memref<1x128x128xf32, #tpu.memory_space<vmem>>
      %dma_wait3A_218 = tpu.memref_squeeze %dma_wait3A_217 : memref<1x128x128xf32, #tpu.memory_space<vmem>> -> memref<128x128xf32, #tpu.memory_space<vmem>>
      %dma_wait3A_219 = arith.constant 0 : i32
      %dma_wait3A_220 = tpu.memref_slice %arg2[%add3A_204, %dma_wait3A_219] : memref<16384x128xf32, #tpu.memory_space<hbm>> -> memref<128x128xf32, #tpu.memory_space<hbm>>
      tpu.wait_dma2 semaphore(%dma_wait3A_214 : memref<!tpu.dma_semaphore, #tpu.memory_space<semaphore_mem>>) src(%dma_wait3A_220 : memref<128x128xf32, #tpu.memory_space<hbm>>) dst(%dma_wait3A_218 : memref<128x128xf32, #tpu.memory_space<vmem>>)
      %dma_wait3A_221 = arith.constant 1 : i32
      %dma_wait3A_222 = arith.constant 1 : i32
      %dma_wait3A_223 = arith.constant 0 : i32
      %dma_wait3A_224 = arith.constant 0 : i32
      %dma_wait3A_225 = tpu.memref_slice %arg14[%dma_wait3A_221, %dma_wait3A_223, %dma_wait3A_224] : memref<2x128x128xf32, #tpu.memory_space<vmem>> -> memref<1x128x128xf32, #tpu.memory_space<vmem>>
      %dma_wait3A_226 = tpu.memref_squeeze %dma_wait3A_225 : memref<1x128x128xf32, #tpu.memory_space<vmem>> -> memref<128x128xf32, #tpu.memory_space<vmem>>
      %dma_wait3A_227 = arith.constant 0 : i32
      %dma_wait3A_228 = tpu.memref_slice %arg4[%add3A_204, %dma_wait3A_227] : memref<16384x128xf32, #tpu.memory_space<hbm>> -> memref<128x128xf32, #tpu.memory_space<hbm>>
      %dma_wait3A_229 = tpu.memref_slice %arg17[%dma_wait3A_222] : memref<2x!tpu.dma_semaphore, #tpu.memory_space<semaphore_mem>> -> memref<1x!tpu.dma_semaphore, #tpu.memory_space<semaphore_mem>>
      %dma_wait3A_230 = tpu.memref_squeeze %dma_wait3A_229 : memref<1x!tpu.dma_semaphore, #tpu.memory_space<semaphore_mem>> -> memref<!tpu.dma_semaphore, #tpu.memory_space<semaphore_mem>>
      %dma_wait3A_231 = arith.constant 0 : i32
      %dma_wait3A_232 = arith.constant 0 : i32
      %dma_wait3A_233 = tpu.memref_slice %arg14[%dma_wait3A_221, %dma_wait3A_231, %dma_wait3A_232] : memref<2x128x128xf32, #tpu.memory_space<vmem>> -> memref<1x128x128xf32, #tpu.memory_space<vmem>>
      %dma_wait3A_234 = tpu.memref_squeeze %dma_wait3A_233 : memref<1x128x128xf32, #tpu.memory_space<vmem>> -> memref<128x128xf32, #tpu.memory_space<vmem>>
      %dma_wait3A_235 = arith.constant 0 : i32
      %dma_wait3A_236 = tpu.memref_slice %arg4[%add3A_204, %dma_wait3A_235] : memref<16384x128xf32, #tpu.memory_space<hbm>> -> memref<128x128xf32, #tpu.memory_space<hbm>>
      tpu.wait_dma2 semaphore(%dma_wait3A_230 : memref<!tpu.dma_semaphore, #tpu.memory_space<semaphore_mem>>) src(%dma_wait3A_236 : memref<128x128xf32, #tpu.memory_space<hbm>>) dst(%dma_wait3A_234 : memref<128x128xf32, #tpu.memory_space<vmem>>)
      %ge3A_237 = arith.constant 1 : i32
      %ge3A_238 = arith.cmpi sge, %scan3A_122, %ge3A_237 : i32
      %convert_element_type3A_239 = arith.extui %ge3A_238 : i1 to i32
      %cond3A_240 = arith.constant 0 : i32
      %cond3A_241 = arith.cmpi ne, %convert_element_type3A_239, %cond3A_240 : i32
      scf.if %cond3A_241 {
        %sub3A = arith.constant 2 : i32
        %sub3A_277 = arith.subi %add3A_201, %sub3A : i32
        %mul3A_278 = arith.constant 128 : i32
        %mul3A_279 = arith.muli %sub3A_277, %mul3A_278 : i32
        %add3A_280 = arith.addi %mul3A_2, %mul3A_279 : i32
        %dma_wait3A_281 = arith.constant 1 : i32
        %dma_wait3A_282 = arith.constant 1 : i32
        %dma_wait3A_283 = arith.constant 0 : i32
        %dma_wait3A_284 = arith.constant 0 : i32
        %dma_wait3A_285 = tpu.memref_slice %arg15[%dma_wait3A_281, %dma_wait3A_283, %dma_wait3A_284] : memref<2x128x128xf32, #tpu.memory_space<vmem>> -> memref<1x128x128xf32, #tpu.memory_space<vmem>>
        %dma_wait3A_286 = tpu.memref_squeeze %dma_wait3A_285 : memref<1x128x128xf32, #tpu.memory_space<vmem>> -> memref<128x128xf32, #tpu.memory_space<vmem>>
        %dma_wait3A_287 = arith.constant 0 : i32
        %dma_wait3A_288 = tpu.memref_slice %arg7[%add3A_280, %dma_wait3A_287] : memref<16384x128xf32, #tpu.memory_space<hbm>> -> memref<128x128xf32, #tpu.memory_space<hbm>>
        %dma_wait3A_289 = tpu.memref_slice %arg18[%dma_wait3A_282] : memref<2x!tpu.dma_semaphore, #tpu.memory_space<semaphore_mem>> -> memref<1x!tpu.dma_semaphore, #tpu.memory_space<semaphore_mem>>
        %dma_wait3A_290 = tpu.memref_squeeze %dma_wait3A_289 : memref<1x!tpu.dma_semaphore, #tpu.memory_space<semaphore_mem>> -> memref<!tpu.dma_semaphore, #tpu.memory_space<semaphore_mem>>
        %dma_wait3A_291 = arith.constant 0 : i32
        %dma_wait3A_292 = tpu.memref_slice %arg7[%add3A_280, %dma_wait3A_291] : memref<16384x128xf32, #tpu.memory_space<hbm>> -> memref<128x128xf32, #tpu.memory_space<hbm>>
        %dma_wait3A_293 = arith.constant 0 : i32
        %dma_wait3A_294 = arith.constant 0 : i32
        %dma_wait3A_295 = tpu.memref_slice %arg15[%dma_wait3A_281, %dma_wait3A_293, %dma_wait3A_294] : memref<2x128x128xf32, #tpu.memory_space<vmem>> -> memref<1x128x128xf32, #tpu.memory_space<vmem>>
        %dma_wait3A_296 = tpu.memref_squeeze %dma_wait3A_295 : memref<1x128x128xf32, #tpu.memory_space<vmem>> -> memref<128x128xf32, #tpu.memory_space<vmem>>
        tpu.wait_dma2 semaphore(%dma_wait3A_290 : memref<!tpu.dma_semaphore, #tpu.memory_space<semaphore_mem>>) src(%dma_wait3A_296 : memref<128x128xf32, #tpu.memory_space<vmem>>) dst(%dma_wait3A_292 : memref<128x128xf32, #tpu.memory_space<hbm>>)
      } else {
      }
      %scan3A_242 = arith.constant 1 : i32
      %scan3A_243 = arith.constant 1 : i32
      %scan3A_244 = arith.constant 1 : i32
      %scan3A_245 = arith.constant 0 : i32
      %scan3A_246 = arith.constant 0 : i32
      %scan3A_247 = arith.constant 128 : i32
      %scan3A_248 = arith.addi %scan3A_246, %scan3A_247 : i32
      %scan3A_249 = arith.constant 1 : i32
      %scan3A_250 = scf.for %scan3A_277 = %scan3A_246 to %scan3A_248 step %scan3A_249 iter_args(%scan3A_278 = %scan3A_245) -> (i32)  : i32 {
        %mul3A_279 = arith.constant 128 : i32
        %mul3A_280 = arith.muli %add3A_201, %mul3A_279 : i32
        %add3A_281 = arith.addi %mul3A_280, %scan3A_277 : i32
        %broadcast_in_dim3A = vector.broadcast %add3A_281 : i32 to vector<16xi32>
        %gather3A = tpu.vector_load_idx %arg11[%broadcast_in_dim3A] : memref<512xf32, #tpu.memory_space<vmem>>[vector<16xi32>], vector<16xf32>,
        %gather3A_282 = tpu.vector_load_idx %arg12[%broadcast_in_dim3A] : memref<512xf32, #tpu.memory_space<vmem>>[vector<16xi32>], vector<16xf32>,
        %get3A = arith.constant 0 : i32
        %get3A_283 = arith.constant 0 : i32
        %get3A_284 = tpu.memref_slice %arg13[%scan3A_242, %get3A, %get3A_283] : memref<2x128x128xf32, #tpu.memory_space<vmem>> -> memref<1x128x128xf32, #tpu.memory_space<vmem>>
        %get3A_285 = tpu.memref_squeeze %get3A_284 : memref<1x128x128xf32, #tpu.memory_space<vmem>> -> memref<128x128xf32, #tpu.memory_space<vmem>>
        %get3A_286 = arith.constant 0 : i32
        %get3A_287 = tpu.memref_slice %get3A_285[%scan3A_277, %get3A_286] : memref<128x128xf32, #tpu.memory_space<vmem>> -> memref<1x128xf32, #tpu.memory_space<vmem>>
        %get3A_288 = tpu.memref_squeeze %get3A_287 : memref<1x128xf32, #tpu.memory_space<vmem>> -> memref<128xf32, #tpu.memory_space<vmem>>
        %get3A_289 = arith.constant 0 : index
        %get3A_290 = tpu.vector_load %get3A_288[%get3A_289] {strides = array<i32>} : memref<128xf32, #tpu.memory_space<vmem>>, vector<16xf32>,
        %mul3A_291 = arith.mulf %gather3A, %get3A_290 : vector<16xf32>
        %get3A_292 = arith.constant 0 : i32
        %get3A_293 = arith.constant 0 : i32
        %get3A_294 = tpu.memref_slice %arg14[%scan3A_243, %get3A_292, %get3A_293] : memref<2x128x128xf32, #tpu.memory_space<vmem>> -> memref<1x128x128xf32, #tpu.memory_space<vmem>>
        %get3A_295 = tpu.memref_squeeze %get3A_294 : memref<1x128x128xf32, #tpu.memory_space<vmem>> -> memref<128x128xf32, #tpu.memory_space<vmem>>
        %get3A_296 = arith.constant 0 : i32
        %get3A_297 = tpu.memref_slice %get3A_295[%scan3A_277, %get3A_296] : memref<128x128xf32, #tpu.memory_space<vmem>> -> memref<1x128xf32, #tpu.memory_space<vmem>>
        %get3A_298 = tpu.memref_squeeze %get3A_297 : memref<1x128xf32, #tpu.memory_space<vmem>> -> memref<128xf32, #tpu.memory_space<vmem>>
        %get3A_299 = arith.constant 0 : index
        %get3A_300 = tpu.vector_load %get3A_298[%get3A_299] {strides = array<i32>} : memref<128xf32, #tpu.memory_space<vmem>>, vector<16xf32>,
        %mul3A_301 = arith.mulf %gather3A_282, %get3A_300 : vector<16xf32>
        %add3A_302 = arith.addf %mul3A_291, %mul3A_301 : vector<16xf32>
        %swap3A = arith.constant 0 : i32
        %swap3A_303 = arith.constant 0 : i32
        %swap3A_304 = tpu.memref_slice %arg15[%scan3A_244, %swap3A, %swap3A_303] : memref<2x128x128xf32, #tpu.memory_space<vmem>> -> memref<1x128x128xf32, #tpu.memory_space<vmem>>
        %swap3A_305 = tpu.memref_squeeze %swap3A_304 : memref<1x128x128xf32, #tpu.memory_space<vmem>> -> memref<128x128xf32, #tpu.memory_space<vmem>>
        %swap3A_306 = arith.constant 0 : i32
        %swap3A_307 = tpu.memref_slice %swap3A_305[%scan3A_277, %swap3A_306] : memref<128x128xf32, #tpu.memory_space<vmem>> -> memref<1x128xf32, #tpu.memory_space<vmem>>
        %swap3A_308 = tpu.memref_squeeze %swap3A_307 : memref<1x128xf32, #tpu.memory_space<vmem>> -> memref<128xf32, #tpu.memory_space<vmem>>
        %swap3A_309 = arith.constant 0 : index
        %swap3A_310 = tpu.vector_load %swap3A_308[%swap3A_309] {strides = array<i32>} : memref<128xf32, #tpu.memory_space<vmem>>, vector<16xf32>,
        tpu.vector_store %swap3A_308[%swap3A_309], %add3A_302 {strides = array<i32>} : memref<128xf32, #tpu.memory_space<vmem>>, vector<16xf32>,
        %get3A_311 = arith.constant 0 : i32
        %get3A_312 = arith.constant 0 : i32
        %get3A_313 = tpu.memref_slice %arg13[%scan3A_242, %get3A_311, %get3A_312] : memref<2x128x128xf32, #tpu.memory_space<vmem>> -> memref<1x128x128xf32, #tpu.memory_space<vmem>>
        %get3A_314 = tpu.memref_squeeze %get3A_313 : memref<1x128x128xf32, #tpu.memory_space<vmem>> -> memref<128x128xf32, #tpu.memory_space<vmem>>
        %get3A_315 = arith.constant 0 : i32
        %get3A_316 = tpu.memref_slice %get3A_314[%scan3A_277, %get3A_315] : memref<128x128xf32, #tpu.memory_space<vmem>> -> memref<1x128xf32, #tpu.memory_space<vmem>>
        %get3A_317 = tpu.memref_squeeze %get3A_316 : memref<1x128xf32, #tpu.memory_space<vmem>> -> memref<128xf32, #tpu.memory_space<vmem>>
        %get3A_318 = arith.constant 16 : index
        %get3A_319 = tpu.vector_load %get3A_317[%get3A_318] {strides = array<i32>} : memref<128xf32, #tpu.memory_space<vmem>>, vector<16xf32>,
        %mul3A_320 = arith.mulf %gather3A, %get3A_319 : vector<16xf32>
        %get3A_321 = arith.constant 0 : i32
        %get3A_322 = arith.constant 0 : i32
        %get3A_323 = tpu.memref_slice %arg14[%scan3A_243, %get3A_321, %get3A_322] : memref<2x128x128xf32, #tpu.memory_space<vmem>> -> memref<1x128x128xf32, #tpu.memory_space<vmem>>
        %get3A_324 = tpu.memref_squeeze %get3A_323 : memref<1x128x128xf32, #tpu.memory_space<vmem>> -> memref<128x128xf32, #tpu.memory_space<vmem>>
        %get3A_325 = arith.constant 0 : i32
        %get3A_326 = tpu.memref_slice %get3A_324[%scan3A_277, %get3A_325] : memref<128x128xf32, #tpu.memory_space<vmem>> -> memref<1x128xf32, #tpu.memory_space<vmem>>
        %get3A_327 = tpu.memref_squeeze %get3A_326 : memref<1x128xf32, #tpu.memory_space<vmem>> -> memref<128xf32, #tpu.memory_space<vmem>>
        %get3A_328 = arith.constant 16 : index
        %get3A_329 = tpu.vector_load %get3A_327[%get3A_328] {strides = array<i32>} : memref<128xf32, #tpu.memory_space<vmem>>, vector<16xf32>,
        %mul3A_330 = arith.mulf %gather3A_282, %get3A_329 : vector<16xf32>
        %add3A_331 = arith.addf %mul3A_320, %mul3A_330 : vector<16xf32>
        %swap3A_332 = arith.constant 0 : i32
        %swap3A_333 = arith.constant 0 : i32
        %swap3A_334 = tpu.memref_slice %arg15[%scan3A_244, %swap3A_332, %swap3A_333] : memref<2x128x128xf32, #tpu.memory_space<vmem>> -> memref<1x128x128xf32, #tpu.memory_space<vmem>>
        %swap3A_335 = tpu.memref_squeeze %swap3A_334 : memref<1x128x128xf32, #tpu.memory_space<vmem>> -> memref<128x128xf32, #tpu.memory_space<vmem>>
        %swap3A_336 = arith.constant 0 : i32
        %swap3A_337 = tpu.memref_slice %swap3A_335[%scan3A_277, %swap3A_336] : memref<128x128xf32, #tpu.memory_space<vmem>> -> memref<1x128xf32, #tpu.memory_space<vmem>>
        %swap3A_338 = tpu.memref_squeeze %swap3A_337 : memref<1x128xf32, #tpu.memory_space<vmem>> -> memref<128xf32, #tpu.memory_space<vmem>>
        %swap3A_339 = arith.constant 16 : index
        %swap3A_340 = tpu.vector_load %swap3A_338[%swap3A_339] {strides = array<i32>} : memref<128xf32, #tpu.memory_space<vmem>>, vector<16xf32>,
        tpu.vector_store %swap3A_338[%swap3A_339], %add3A_331 {strides = array<i32>} : memref<128xf32, #tpu.memory_space<vmem>>, vector<16xf32>,
        %get3A_341 = arith.constant 0 : i32
        %get3A_342 = arith.constant 0 : i32
        %get3A_343 = tpu.memref_slice %arg13[%scan3A_242, %get3A_341, %get3A_342] : memref<2x128x128xf32, #tpu.memory_space<vmem>> -> memref<1x128x128xf32, #tpu.memory_space<vmem>>
        %get3A_344 = tpu.memref_squeeze %get3A_343 : memref<1x128x128xf32, #tpu.memory_space<vmem>> -> memref<128x128xf32, #tpu.memory_space<vmem>>
        %get3A_345 = arith.constant 0 : i32
        %get3A_346 = tpu.memref_slice %get3A_344[%scan3A_277, %get3A_345] : memref<128x128xf32, #tpu.memory_space<vmem>> -> memref<1x128xf32, #tpu.memory_space<vmem>>
        %get3A_347 = tpu.memref_squeeze %get3A_346 : memref<1x128xf32, #tpu.memory_space<vmem>> -> memref<128xf32, #tpu.memory_space<vmem>>
        %get3A_348 = arith.constant 32 : index
        %get3A_349 = tpu.vector_load %get3A_347[%get3A_348] {strides = array<i32>} : memref<128xf32, #tpu.memory_space<vmem>>, vector<16xf32>,
        %mul3A_350 = arith.mulf %gather3A, %get3A_349 : vector<16xf32>
        %get3A_351 = arith.constant 0 : i32
        %get3A_352 = arith.constant 0 : i32
        %get3A_353 = tpu.memref_slice %arg14[%scan3A_243, %get3A_351, %get3A_352] : memref<2x128x128xf32, #tpu.memory_space<vmem>> -> memref<1x128x128xf32, #tpu.memory_space<vmem>>
        %get3A_354 = tpu.memref_squeeze %get3A_353 : memref<1x128x128xf32, #tpu.memory_space<vmem>> -> memref<128x128xf32, #tpu.memory_space<vmem>>
        %get3A_355 = arith.constant 0 : i32
        %get3A_356 = tpu.memref_slice %get3A_354[%scan3A_277, %get3A_355] : memref<128x128xf32, #tpu.memory_space<vmem>> -> memref<1x128xf32, #tpu.memory_space<vmem>>
        %get3A_357 = tpu.memref_squeeze %get3A_356 : memref<1x128xf32, #tpu.memory_space<vmem>> -> memref<128xf32, #tpu.memory_space<vmem>>
        %get3A_358 = arith.constant 32 : index
        %get3A_359 = tpu.vector_load %get3A_357[%get3A_358] {strides = array<i32>} : memref<128xf32, #tpu.memory_space<vmem>>, vector<16xf32>,
        %mul3A_360 = arith.mulf %gather3A_282, %get3A_359 : vector<16xf32>
        %add3A_361 = arith.addf %mul3A_350, %mul3A_360 : vector<16xf32>
        %swap3A_362 = arith.constant 0 : i32
        %swap3A_363 = arith.constant 0 : i32
        %swap3A_364 = tpu.memref_slice %arg15[%scan3A_244, %swap3A_362, %swap3A_363] : memref<2x128x128xf32, #tpu.memory_space<vmem>> -> memref<1x128x128xf32, #tpu.memory_space<vmem>>
        %swap3A_365 = tpu.memref_squeeze %swap3A_364 : memref<1x128x128xf32, #tpu.memory_space<vmem>> -> memref<128x128xf32, #tpu.memory_space<vmem>>
        %swap3A_366 = arith.constant 0 : i32
        %swap3A_367 = tpu.memref_slice %swap3A_365[%scan3A_277, %swap3A_366] : memref<128x128xf32, #tpu.memory_space<vmem>> -> memref<1x128xf32, #tpu.memory_space<vmem>>
        %swap3A_368 = tpu.memref_squeeze %swap3A_367 : memref<1x128xf32, #tpu.memory_space<vmem>> -> memref<128xf32, #tpu.memory_space<vmem>>
        %swap3A_369 = arith.constant 32 : index
        %swap3A_370 = tpu.vector_load %swap3A_368[%swap3A_369] {strides = array<i32>} : memref<128xf32, #tpu.memory_space<vmem>>, vector<16xf32>,
        tpu.vector_store %swap3A_368[%swap3A_369], %add3A_361 {strides = array<i32>} : memref<128xf32, #tpu.memory_space<vmem>>, vector<16xf32>,
        %get3A_371 = arith.constant 0 : i32
        %get3A_372 = arith.constant 0 : i32
        %get3A_373 = tpu.memref_slice %arg13[%scan3A_242, %get3A_371, %get3A_372] : memref<2x128x128xf32, #tpu.memory_space<vmem>> -> memref<1x128x128xf32, #tpu.memory_space<vmem>>
        %get3A_374 = tpu.memref_squeeze %get3A_373 : memref<1x128x128xf32, #tpu.memory_space<vmem>> -> memref<128x128xf32, #tpu.memory_space<vmem>>
        %get3A_375 = arith.constant 0 : i32
        %get3A_376 = tpu.memref_slice %get3A_374[%scan3A_277, %get3A_375] : memref<128x128xf32, #tpu.memory_space<vmem>> -> memref<1x128xf32, #tpu.memory_space<vmem>>
        %get3A_377 = tpu.memref_squeeze %get3A_376 : memref<1x128xf32, #tpu.memory_space<vmem>> -> memref<128xf32, #tpu.memory_space<vmem>>
        %get3A_378 = arith.constant 48 : index
        %get3A_379 = tpu.vector_load %get3A_377[%get3A_378] {strides = array<i32>} : memref<128xf32, #tpu.memory_space<vmem>>, vector<16xf32>,
        %mul3A_380 = arith.mulf %gather3A, %get3A_379 : vector<16xf32>
        %get3A_381 = arith.constant 0 : i32
        %get3A_382 = arith.constant 0 : i32
        %get3A_383 = tpu.memref_slice %arg14[%scan3A_243, %get3A_381, %get3A_382] : memref<2x128x128xf32, #tpu.memory_space<vmem>> -> memref<1x128x128xf32, #tpu.memory_space<vmem>>
        %get3A_384 = tpu.memref_squeeze %get3A_383 : memref<1x128x128xf32, #tpu.memory_space<vmem>> -> memref<128x128xf32, #tpu.memory_space<vmem>>
        %get3A_385 = arith.constant 0 : i32
        %get3A_386 = tpu.memref_slice %get3A_384[%scan3A_277, %get3A_385] : memref<128x128xf32, #tpu.memory_space<vmem>> -> memref<1x128xf32, #tpu.memory_space<vmem>>
        %get3A_387 = tpu.memref_squeeze %get3A_386 : memref<1x128xf32, #tpu.memory_space<vmem>> -> memref<128xf32, #tpu.memory_space<vmem>>
        %get3A_388 = arith.constant 48 : index
        %get3A_389 = tpu.vector_load %get3A_387[%get3A_388] {strides = array<i32>} : memref<128xf32, #tpu.memory_space<vmem>>, vector<16xf32>,
        %mul3A_390 = arith.mulf %gather3A_282, %get3A_389 : vector<16xf32>
        %add3A_391 = arith.addf %mul3A_380, %mul3A_390 : vector<16xf32>
        %swap3A_392 = arith.constant 0 : i32
        %swap3A_393 = arith.constant 0 : i32
        %swap3A_394 = tpu.memref_slice %arg15[%scan3A_244, %swap3A_392, %swap3A_393] : memref<2x128x128xf32, #tpu.memory_space<vmem>> -> memref<1x128x128xf32, #tpu.memory_space<vmem>>
        %swap3A_395 = tpu.memref_squeeze %swap3A_394 : memref<1x128x128xf32, #tpu.memory_space<vmem>> -> memref<128x128xf32, #tpu.memory_space<vmem>>
        %swap3A_396 = arith.constant 0 : i32
        %swap3A_397 = tpu.memref_slice %swap3A_395[%scan3A_277, %swap3A_396] : memref<128x128xf32, #tpu.memory_space<vmem>> -> memref<1x128xf32, #tpu.memory_space<vmem>>
        %swap3A_398 = tpu.memref_squeeze %swap3A_397 : memref<1x128xf32, #tpu.memory_space<vmem>> -> memref<128xf32, #tpu.memory_space<vmem>>
        %swap3A_399 = arith.constant 48 : index
        %swap3A_400 = tpu.vector_load %swap3A_398[%swap3A_399] {strides = array<i32>} : memref<128xf32, #tpu.memory_space<vmem>>, vector<16xf32>,
        tpu.vector_store %swap3A_398[%swap3A_399], %add3A_391 {strides = array<i32>} : memref<128xf32, #tpu.memory_space<vmem>>, vector<16xf32>,
        %get3A_401 = arith.constant 0 : i32
        %get3A_402 = arith.constant 0 : i32
        %get3A_403 = tpu.memref_slice %arg13[%scan3A_242, %get3A_401, %get3A_402] : memref<2x128x128xf32, #tpu.memory_space<vmem>> -> memref<1x128x128xf32, #tpu.memory_space<vmem>>
        %get3A_404 = tpu.memref_squeeze %get3A_403 : memref<1x128x128xf32, #tpu.memory_space<vmem>> -> memref<128x128xf32, #tpu.memory_space<vmem>>
        %get3A_405 = arith.constant 0 : i32
        %get3A_406 = tpu.memref_slice %get3A_404[%scan3A_277, %get3A_405] : memref<128x128xf32, #tpu.memory_space<vmem>> -> memref<1x128xf32, #tpu.memory_space<vmem>>
        %get3A_407 = tpu.memref_squeeze %get3A_406 : memref<1x128xf32, #tpu.memory_space<vmem>> -> memref<128xf32, #tpu.memory_space<vmem>>
        %get3A_408 = arith.constant 64 : index
        %get3A_409 = tpu.vector_load %get3A_407[%get3A_408] {strides = array<i32>} : memref<128xf32, #tpu.memory_space<vmem>>, vector<16xf32>,
        %mul3A_410 = arith.mulf %gather3A, %get3A_409 : vector<16xf32>
        %get3A_411 = arith.constant 0 : i32
        %get3A_412 = arith.constant 0 : i32
        %get3A_413 = tpu.memref_slice %arg14[%scan3A_243, %get3A_411, %get3A_412] : memref<2x128x128xf32, #tpu.memory_space<vmem>> -> memref<1x128x128xf32, #tpu.memory_space<vmem>>
        %get3A_414 = tpu.memref_squeeze %get3A_413 : memref<1x128x128xf32, #tpu.memory_space<vmem>> -> memref<128x128xf32, #tpu.memory_space<vmem>>
        %get3A_415 = arith.constant 0 : i32
        %get3A_416 = tpu.memref_slice %get3A_414[%scan3A_277, %get3A_415] : memref<128x128xf32, #tpu.memory_space<vmem>> -> memref<1x128xf32, #tpu.memory_space<vmem>>
        %get3A_417 = tpu.memref_squeeze %get3A_416 : memref<1x128xf32, #tpu.memory_space<vmem>> -> memref<128xf32, #tpu.memory_space<vmem>>
        %get3A_418 = arith.constant 64 : index
        %get3A_419 = tpu.vector_load %get3A_417[%get3A_418] {strides = array<i32>} : memref<128xf32, #tpu.memory_space<vmem>>, vector<16xf32>,
        %mul3A_420 = arith.mulf %gather3A_282, %get3A_419 : vector<16xf32>
        %add3A_421 = arith.addf %mul3A_410, %mul3A_420 : vector<16xf32>
        %swap3A_422 = arith.constant 0 : i32
        %swap3A_423 = arith.constant 0 : i32
        %swap3A_424 = tpu.memref_slice %arg15[%scan3A_244, %swap3A_422, %swap3A_423] : memref<2x128x128xf32, #tpu.memory_space<vmem>> -> memref<1x128x128xf32, #tpu.memory_space<vmem>>
        %swap3A_425 = tpu.memref_squeeze %swap3A_424 : memref<1x128x128xf32, #tpu.memory_space<vmem>> -> memref<128x128xf32, #tpu.memory_space<vmem>>
        %swap3A_426 = arith.constant 0 : i32
        %swap3A_427 = tpu.memref_slice %swap3A_425[%scan3A_277, %swap3A_426] : memref<128x128xf32, #tpu.memory_space<vmem>> -> memref<1x128xf32, #tpu.memory_space<vmem>>
        %swap3A_428 = tpu.memref_squeeze %swap3A_427 : memref<1x128xf32, #tpu.memory_space<vmem>> -> memref<128xf32, #tpu.memory_space<vmem>>
        %swap3A_429 = arith.constant 64 : index
        %swap3A_430 = tpu.vector_load %swap3A_428[%swap3A_429] {strides = array<i32>} : memref<128xf32, #tpu.memory_space<vmem>>, vector<16xf32>,
        tpu.vector_store %swap3A_428[%swap3A_429], %add3A_421 {strides = array<i32>} : memref<128xf32, #tpu.memory_space<vmem>>, vector<16xf32>,
        %get3A_431 = arith.constant 0 : i32
        %get3A_432 = arith.constant 0 : i32
        %get3A_433 = tpu.memref_slice %arg13[%scan3A_242, %get3A_431, %get3A_432] : memref<2x128x128xf32, #tpu.memory_space<vmem>> -> memref<1x128x128xf32, #tpu.memory_space<vmem>>
        %get3A_434 = tpu.memref_squeeze %get3A_433 : memref<1x128x128xf32, #tpu.memory_space<vmem>> -> memref<128x128xf32, #tpu.memory_space<vmem>>
        %get3A_435 = arith.constant 0 : i32
        %get3A_436 = tpu.memref_slice %get3A_434[%scan3A_277, %get3A_435] : memref<128x128xf32, #tpu.memory_space<vmem>> -> memref<1x128xf32, #tpu.memory_space<vmem>>
        %get3A_437 = tpu.memref_squeeze %get3A_436 : memref<1x128xf32, #tpu.memory_space<vmem>> -> memref<128xf32, #tpu.memory_space<vmem>>
        %get3A_438 = arith.constant 80 : index
        %get3A_439 = tpu.vector_load %get3A_437[%get3A_438] {strides = array<i32>} : memref<128xf32, #tpu.memory_space<vmem>>, vector<16xf32>,
        %mul3A_440 = arith.mulf %gather3A, %get3A_439 : vector<16xf32>
        %get3A_441 = arith.constant 0 : i32
        %get3A_442 = arith.constant 0 : i32
        %get3A_443 = tpu.memref_slice %arg14[%scan3A_243, %get3A_441, %get3A_442] : memref<2x128x128xf32, #tpu.memory_space<vmem>> -> memref<1x128x128xf32, #tpu.memory_space<vmem>>
        %get3A_444 = tpu.memref_squeeze %get3A_443 : memref<1x128x128xf32, #tpu.memory_space<vmem>> -> memref<128x128xf32, #tpu.memory_space<vmem>>
        %get3A_445 = arith.constant 0 : i32
        %get3A_446 = tpu.memref_slice %get3A_444[%scan3A_277, %get3A_445] : memref<128x128xf32, #tpu.memory_space<vmem>> -> memref<1x128xf32, #tpu.memory_space<vmem>>
        %get3A_447 = tpu.memref_squeeze %get3A_446 : memref<1x128xf32, #tpu.memory_space<vmem>> -> memref<128xf32, #tpu.memory_space<vmem>>
        %get3A_448 = arith.constant 80 : index
        %get3A_449 = tpu.vector_load %get3A_447[%get3A_448] {strides = array<i32>} : memref<128xf32, #tpu.memory_space<vmem>>, vector<16xf32>,
        %mul3A_450 = arith.mulf %gather3A_282, %get3A_449 : vector<16xf32>
        %add3A_451 = arith.addf %mul3A_440, %mul3A_450 : vector<16xf32>
        %swap3A_452 = arith.constant 0 : i32
        %swap3A_453 = arith.constant 0 : i32
        %swap3A_454 = tpu.memref_slice %arg15[%scan3A_244, %swap3A_452, %swap3A_453] : memref<2x128x128xf32, #tpu.memory_space<vmem>> -> memref<1x128x128xf32, #tpu.memory_space<vmem>>
        %swap3A_455 = tpu.memref_squeeze %swap3A_454 : memref<1x128x128xf32, #tpu.memory_space<vmem>> -> memref<128x128xf32, #tpu.memory_space<vmem>>
        %swap3A_456 = arith.constant 0 : i32
        %swap3A_457 = tpu.memref_slice %swap3A_455[%scan3A_277, %swap3A_456] : memref<128x128xf32, #tpu.memory_space<vmem>> -> memref<1x128xf32, #tpu.memory_space<vmem>>
        %swap3A_458 = tpu.memref_squeeze %swap3A_457 : memref<1x128xf32, #tpu.memory_space<vmem>> -> memref<128xf32, #tpu.memory_space<vmem>>
        %swap3A_459 = arith.constant 80 : index
        %swap3A_460 = tpu.vector_load %swap3A_458[%swap3A_459] {strides = array<i32>} : memref<128xf32, #tpu.memory_space<vmem>>, vector<16xf32>,
        tpu.vector_store %swap3A_458[%swap3A_459], %add3A_451 {strides = array<i32>} : memref<128xf32, #tpu.memory_space<vmem>>, vector<16xf32>,
        %get3A_461 = arith.constant 0 : i32
        %get3A_462 = arith.constant 0 : i32
        %get3A_463 = tpu.memref_slice %arg13[%scan3A_242, %get3A_461, %get3A_462] : memref<2x128x128xf32, #tpu.memory_space<vmem>> -> memref<1x128x128xf32, #tpu.memory_space<vmem>>
        %get3A_464 = tpu.memref_squeeze %get3A_463 : memref<1x128x128xf32, #tpu.memory_space<vmem>> -> memref<128x128xf32, #tpu.memory_space<vmem>>
        %get3A_465 = arith.constant 0 : i32
        %get3A_466 = tpu.memref_slice %get3A_464[%scan3A_277, %get3A_465] : memref<128x128xf32, #tpu.memory_space<vmem>> -> memref<1x128xf32, #tpu.memory_space<vmem>>
        %get3A_467 = tpu.memref_squeeze %get3A_466 : memref<1x128xf32, #tpu.memory_space<vmem>> -> memref<128xf32, #tpu.memory_space<vmem>>
        %get3A_468 = arith.constant 96 : index
        %get3A_469 = tpu.vector_load %get3A_467[%get3A_468] {strides = array<i32>} : memref<128xf32, #tpu.memory_space<vmem>>, vector<16xf32>,
        %mul3A_470 = arith.mulf %gather3A, %get3A_469 : vector<16xf32>
        %get3A_471 = arith.constant 0 : i32
        %get3A_472 = arith.constant 0 : i32
        %get3A_473 = tpu.memref_slice %arg14[%scan3A_243, %get3A_471, %get3A_472] : memref<2x128x128xf32, #tpu.memory_space<vmem>> -> memref<1x128x128xf32, #tpu.memory_space<vmem>>
        %get3A_474 = tpu.memref_squeeze %get3A_473 : memref<1x128x128xf32, #tpu.memory_space<vmem>> -> memref<128x128xf32, #tpu.memory_space<vmem>>
        %get3A_475 = arith.constant 0 : i32
        %get3A_476 = tpu.memref_slice %get3A_474[%scan3A_277, %get3A_475] : memref<128x128xf32, #tpu.memory_space<vmem>> -> memref<1x128xf32, #tpu.memory_space<vmem>>
        %get3A_477 = tpu.memref_squeeze %get3A_476 : memref<1x128xf32, #tpu.memory_space<vmem>> -> memref<128xf32, #tpu.memory_space<vmem>>
        %get3A_478 = arith.constant 96 : index
        %get3A_479 = tpu.vector_load %get3A_477[%get3A_478] {strides = array<i32>} : memref<128xf32, #tpu.memory_space<vmem>>, vector<16xf32>,
        %mul3A_480 = arith.mulf %gather3A_282, %get3A_479 : vector<16xf32>
        %add3A_481 = arith.addf %mul3A_470, %mul3A_480 : vector<16xf32>
        %swap3A_482 = arith.constant 0 : i32
        %swap3A_483 = arith.constant 0 : i32
        %swap3A_484 = tpu.memref_slice %arg15[%scan3A_244, %swap3A_482, %swap3A_483] : memref<2x128x128xf32, #tpu.memory_space<vmem>> -> memref<1x128x128xf32, #tpu.memory_space<vmem>>
        %swap3A_485 = tpu.memref_squeeze %swap3A_484 : memref<1x128x128xf32, #tpu.memory_space<vmem>> -> memref<128x128xf32, #tpu.memory_space<vmem>>
        %swap3A_486 = arith.constant 0 : i32
        %swap3A_487 = tpu.memref_slice %swap3A_485[%scan3A_277, %swap3A_486] : memref<128x128xf32, #tpu.memory_space<vmem>> -> memref<1x128xf32, #tpu.memory_space<vmem>>
        %swap3A_488 = tpu.memref_squeeze %swap3A_487 : memref<1x128xf32, #tpu.memory_space<vmem>> -> memref<128xf32, #tpu.memory_space<vmem>>
        %swap3A_489 = arith.constant 96 : index
        %swap3A_490 = tpu.vector_load %swap3A_488[%swap3A_489] {strides = array<i32>} : memref<128xf32, #tpu.memory_space<vmem>>, vector<16xf32>,
        tpu.vector_store %swap3A_488[%swap3A_489], %add3A_481 {strides = array<i32>} : memref<128xf32, #tpu.memory_space<vmem>>, vector<16xf32>,
        %get3A_491 = arith.constant 0 : i32
        %get3A_492 = arith.constant 0 : i32
        %get3A_493 = tpu.memref_slice %arg13[%scan3A_242, %get3A_491, %get3A_492] : memref<2x128x128xf32, #tpu.memory_space<vmem>> -> memref<1x128x128xf32, #tpu.memory_space<vmem>>
        %get3A_494 = tpu.memref_squeeze %get3A_493 : memref<1x128x128xf32, #tpu.memory_space<vmem>> -> memref<128x128xf32, #tpu.memory_space<vmem>>
        %get3A_495 = arith.constant 0 : i32
        %get3A_496 = tpu.memref_slice %get3A_494[%scan3A_277, %get3A_495] : memref<128x128xf32, #tpu.memory_space<vmem>> -> memref<1x128xf32, #tpu.memory_space<vmem>>
        %get3A_497 = tpu.memref_squeeze %get3A_496 : memref<1x128xf32, #tpu.memory_space<vmem>> -> memref<128xf32, #tpu.memory_space<vmem>>
        %get3A_498 = arith.constant 112 : index
        %get3A_499 = tpu.vector_load %get3A_497[%get3A_498] {strides = array<i32>} : memref<128xf32, #tpu.memory_space<vmem>>, vector<16xf32>,
        %mul3A_500 = arith.mulf %gather3A, %get3A_499 : vector<16xf32>
        %get3A_501 = arith.constant 0 : i32
        %get3A_502 = arith.constant 0 : i32
        %get3A_503 = tpu.memref_slice %arg14[%scan3A_243, %get3A_501, %get3A_502] : memref<2x128x128xf32, #tpu.memory_space<vmem>> -> memref<1x128x128xf32, #tpu.memory_space<vmem>>
        %get3A_504 = tpu.memref_squeeze %get3A_503 : memref<1x128x128xf32, #tpu.memory_space<vmem>> -> memref<128x128xf32, #tpu.memory_space<vmem>>
        %get3A_505 = arith.constant 0 : i32
        %get3A_506 = tpu.memref_slice %get3A_504[%scan3A_277, %get3A_505] : memref<128x128xf32, #tpu.memory_space<vmem>> -> memref<1x128xf32, #tpu.memory_space<vmem>>
        %get3A_507 = tpu.memref_squeeze %get3A_506 : memref<1x128xf32, #tpu.memory_space<vmem>> -> memref<128xf32, #tpu.memory_space<vmem>>
        %get3A_508 = arith.constant 112 : index
        %get3A_509 = tpu.vector_load %get3A_507[%get3A_508] {strides = array<i32>} : memref<128xf32, #tpu.memory_space<vmem>>, vector<16xf32>,
        %mul3A_510 = arith.mulf %gather3A_282, %get3A_509 : vector<16xf32>
        %add3A_511 = arith.addf %mul3A_500, %mul3A_510 : vector<16xf32>
        %swap3A_512 = arith.constant 0 : i32
        %swap3A_513 = arith.constant 0 : i32
        %swap3A_514 = tpu.memref_slice %arg15[%scan3A_244, %swap3A_512, %swap3A_513] : memref<2x128x128xf32, #tpu.memory_space<vmem>> -> memref<1x128x128xf32, #tpu.memory_space<vmem>>
        %swap3A_515 = tpu.memref_squeeze %swap3A_514 : memref<1x128x128xf32, #tpu.memory_space<vmem>> -> memref<128x128xf32, #tpu.memory_space<vmem>>
        %swap3A_516 = arith.constant 0 : i32
        %swap3A_517 = tpu.memref_slice %swap3A_515[%scan3A_277, %swap3A_516] : memref<128x128xf32, #tpu.memory_space<vmem>> -> memref<1x128xf32, #tpu.memory_space<vmem>>
        %swap3A_518 = tpu.memref_squeeze %swap3A_517 : memref<1x128xf32, #tpu.memory_space<vmem>> -> memref<128xf32, #tpu.memory_space<vmem>>
        %swap3A_519 = arith.constant 112 : index
        %swap3A_520 = tpu.vector_load %swap3A_518[%swap3A_519] {strides = array<i32>} : memref<128xf32, #tpu.memory_space<vmem>>, vector<16xf32>,
        tpu.vector_store %swap3A_518[%swap3A_519], %add3A_511 {strides = array<i32>} : memref<128xf32, #tpu.memory_space<vmem>>, vector<16xf32>,
        %scan3A_521 = arith.constant 0 : i32
        scf.yield %scan3A_521 : i32
      }
      %scan3A_251 = arith.constant 128 : i32
      %mul3A_252 = arith.constant 128 : i32
      %mul3A_253 = arith.muli %add3A_201, %mul3A_252 : i32
      %add3A_254 = arith.addi %mul3A_2, %mul3A_253 : i32
      %dma_start3A_255 = arith.constant 1 : i32
      %dma_start3A_256 = arith.constant 1 : i32
      %dma_start3A_257 = arith.constant 0 : i32
      %dma_start3A_258 = arith.constant 0 : i32
      %dma_start3A_259 = tpu.memref_slice %arg15[%dma_start3A_255, %dma_start3A_257, %dma_start3A_258] : memref<2x128x128xf32, #tpu.memory_space<vmem>> -> memref<1x128x128xf32, #tpu.memory_space<vmem>>
      %dma_start3A_260 = tpu.memref_squeeze %dma_start3A_259 : memref<1x128x128xf32, #tpu.memory_space<vmem>> -> memref<128x128xf32, #tpu.memory_space<vmem>>
      %dma_start3A_261 = arith.constant 0 : i32
      %dma_start3A_262 = tpu.memref_slice %arg7[%add3A_254, %dma_start3A_261] : memref<16384x128xf32, #tpu.memory_space<hbm>> -> memref<128x128xf32, #tpu.memory_space<hbm>>
      %dma_start3A_263 = tpu.memref_slice %arg18[%dma_start3A_256] : memref<2x!tpu.dma_semaphore, #tpu.memory_space<semaphore_mem>> -> memref<1x!tpu.dma_semaphore, #tpu.memory_space<semaphore_mem>>
      %dma_start3A_264 = tpu.memref_squeeze %dma_start3A_263 : memref<1x!tpu.dma_semaphore, #tpu.memory_space<semaphore_mem>> -> memref<!tpu.dma_semaphore, #tpu.memory_space<semaphore_mem>>
      %dma_start3A_265 = arith.constant 0 : i32
      %dma_start3A_266 = tpu.memref_slice %arg7[%add3A_254, %dma_start3A_265] : memref<16384x128xf32, #tpu.memory_space<hbm>> -> memref<128x128xf32, #tpu.memory_space<hbm>>
      %dma_start3A_267 = arith.constant 0 : i32
      %dma_start3A_268 = arith.constant 0 : i32
      %dma_start3A_269 = tpu.memref_slice %arg15[%dma_start3A_255, %dma_start3A_267, %dma_start3A_268] : memref<2x128x128xf32, #tpu.memory_space<vmem>> -> memref<1x128x128xf32, #tpu.memory_space<vmem>>
      %dma_start3A_270 = tpu.memref_squeeze %dma_start3A_269 : memref<1x128x128xf32, #tpu.memory_space<vmem>> -> memref<128x128xf32, #tpu.memory_space<vmem>>
      tpu.enqueue_dma source(%dma_start3A_270 : memref<128x128xf32, #tpu.memory_space<vmem>>) target(%dma_start3A_266 : memref<128x128xf32, #tpu.memory_space<hbm>>) target_semaphore(%dma_start3A_264 : memref<!tpu.dma_semaphore, #tpu.memory_space<semaphore_mem>>)
      %lt3A_271 = arith.constant 1 : i32
      %lt3A_272 = arith.cmpi slt, %scan3A_122, %lt3A_271 : i32
      %convert_element_type3A_273 = arith.extui %lt3A_272 : i1 to i32
      %cond3A_274 = arith.constant 0 : i32
      %cond3A_275 = arith.cmpi ne, %convert_element_type3A_273, %cond3A_274 : i32
      scf.if %cond3A_275 {
        %add3A_277 = arith.constant 2 : i32
        %add3A_278 = arith.addi %add3A_201, %add3A_277 : i32
        %mul3A_279 = arith.constant 128 : i32
        %mul3A_280 = arith.muli %add3A_278, %mul3A_279 : i32
        %add3A_281 = arith.addi %mul3A_2, %mul3A_280 : i32
        %dma_start3A_282 = arith.constant 1 : i32
        %dma_start3A_283 = arith.constant 1 : i32
        %dma_start3A_284 = arith.constant 0 : i32
        %dma_start3A_285 = arith.constant 0 : i32
        %dma_start3A_286 = tpu.memref_slice %arg13[%dma_start3A_282, %dma_start3A_284, %dma_start3A_285] : memref<2x128x128xf32, #tpu.memory_space<vmem>> -> memref<1x128x128xf32, #tpu.memory_space<vmem>>
        %dma_start3A_287 = tpu.memref_squeeze %dma_start3A_286 : memref<1x128x128xf32, #tpu.memory_space<vmem>> -> memref<128x128xf32, #tpu.memory_space<vmem>>
        %dma_start3A_288 = arith.constant 0 : i32
        %dma_start3A_289 = tpu.memref_slice %arg2[%add3A_281, %dma_start3A_288] : memref<16384x128xf32, #tpu.memory_space<hbm>> -> memref<128x128xf32, #tpu.memory_space<hbm>>
        %dma_start3A_290 = tpu.memref_slice %arg17[%dma_start3A_283] : memref<2x!tpu.dma_semaphore, #tpu.memory_space<semaphore_mem>> -> memref<1x!tpu.dma_semaphore, #tpu.memory_space<semaphore_mem>>
        %dma_start3A_291 = tpu.memref_squeeze %dma_start3A_290 : memref<1x!tpu.dma_semaphore, #tpu.memory_space<semaphore_mem>> -> memref<!tpu.dma_semaphore, #tpu.memory_space<semaphore_mem>>
        %dma_start3A_292 = arith.constant 0 : i32
        %dma_start3A_293 = arith.constant 0 : i32
        %dma_start3A_294 = tpu.memref_slice %arg13[%dma_start3A_282, %dma_start3A_292, %dma_start3A_293] : memref<2x128x128xf32, #tpu.memory_space<vmem>> -> memref<1x128x128xf32, #tpu.memory_space<vmem>>
        %dma_start3A_295 = tpu.memref_squeeze %dma_start3A_294 : memref<1x128x128xf32, #tpu.memory_space<vmem>> -> memref<128x128xf32, #tpu.memory_space<vmem>>
        %dma_start3A_296 = arith.constant 0 : i32
        %dma_start3A_297 = tpu.memref_slice %arg2[%add3A_281, %dma_start3A_296] : memref<16384x128xf32, #tpu.memory_space<hbm>> -> memref<128x128xf32, #tpu.memory_space<hbm>>
        tpu.enqueue_dma source(%dma_start3A_297 : memref<128x128xf32, #tpu.memory_space<hbm>>) target(%dma_start3A_295 : memref<128x128xf32, #tpu.memory_space<vmem>>) target_semaphore(%dma_start3A_291 : memref<!tpu.dma_semaphore, #tpu.memory_space<semaphore_mem>>)
        %dma_start3A_298 = arith.constant 1 : i32
        %dma_start3A_299 = arith.constant 1 : i32
        %dma_start3A_300 = arith.constant 0 : i32
        %dma_start3A_301 = arith.constant 0 : i32
        %dma_start3A_302 = tpu.memref_slice %arg14[%dma_start3A_298, %dma_start3A_300, %dma_start3A_301] : memref<2x128x128xf32, #tpu.memory_space<vmem>> -> memref<1x128x128xf32, #tpu.memory_space<vmem>>
        %dma_start3A_303 = tpu.memref_squeeze %dma_start3A_302 : memref<1x128x128xf32, #tpu.memory_space<vmem>> -> memref<128x128xf32, #tpu.memory_space<vmem>>
        %dma_start3A_304 = arith.constant 0 : i32
        %dma_start3A_305 = tpu.memref_slice %arg4[%add3A_281, %dma_start3A_304] : memref<16384x128xf32, #tpu.memory_space<hbm>> -> memref<128x128xf32, #tpu.memory_space<hbm>>
        %dma_start3A_306 = tpu.memref_slice %arg17[%dma_start3A_299] : memref<2x!tpu.dma_semaphore, #tpu.memory_space<semaphore_mem>> -> memref<1x!tpu.dma_semaphore, #tpu.memory_space<semaphore_mem>>
        %dma_start3A_307 = tpu.memref_squeeze %dma_start3A_306 : memref<1x!tpu.dma_semaphore, #tpu.memory_space<semaphore_mem>> -> memref<!tpu.dma_semaphore, #tpu.memory_space<semaphore_mem>>
        %dma_start3A_308 = arith.constant 0 : i32
        %dma_start3A_309 = arith.constant 0 : i32
        %dma_start3A_310 = tpu.memref_slice %arg14[%dma_start3A_298, %dma_start3A_308, %dma_start3A_309] : memref<2x128x128xf32, #tpu.memory_space<vmem>> -> memref<1x128x128xf32, #tpu.memory_space<vmem>>
        %dma_start3A_311 = tpu.memref_squeeze %dma_start3A_310 : memref<1x128x128xf32, #tpu.memory_space<vmem>> -> memref<128x128xf32, #tpu.memory_space<vmem>>
        %dma_start3A_312 = arith.constant 0 : i32
        %dma_start3A_313 = tpu.memref_slice %arg4[%add3A_281, %dma_start3A_312] : memref<16384x128xf32, #tpu.memory_space<hbm>> -> memref<128x128xf32, #tpu.memory_space<hbm>>
        tpu.enqueue_dma source(%dma_start3A_313 : memref<128x128xf32, #tpu.memory_space<hbm>>) target(%dma_start3A_311 : memref<128x128xf32, #tpu.memory_space<vmem>>) target_semaphore(%dma_start3A_307 : memref<!tpu.dma_semaphore, #tpu.memory_space<semaphore_mem>>)
      } else {
      }
      %scan3A_276 = arith.constant 0 : i32
      scf.yield %scan3A_276 : i32
    }
    %scan3A_85 = arith.constant 2 : i32
    %add3A_86 = arith.constant 256 : i32
    %add3A_87 = arith.addi %mul3A_2, %add3A_86 : i32
    %dma_wait3A_88 = arith.constant 0 : i32
    %dma_wait3A_89 = arith.constant 0 : i32
    %dma_wait3A_90 = arith.constant 0 : i32
    %dma_wait3A_91 = arith.constant 0 : i32
    %dma_wait3A_92 = tpu.memref_slice %arg15[%dma_wait3A_88, %dma_wait3A_90, %dma_wait3A_91] : memref<2x128x128xf32, #tpu.memory_space<vmem>> -> memref<1x128x128xf32, #tpu.memory_space<vmem>>
    %dma_wait3A_93 = tpu.memref_squeeze %dma_wait3A_92 : memref<1x128x128xf32, #tpu.memory_space<vmem>> -> memref<128x128xf32, #tpu.memory_space<vmem>>
    %dma_wait3A_94 = arith.constant 0 : i32
    %dma_wait3A_95 = tpu.memref_slice %arg7[%add3A_87, %dma_wait3A_94] : memref<16384x128xf32, #tpu.memory_space<hbm>> -> memref<128x128xf32, #tpu.memory_space<hbm>>
    %dma_wait3A_96 = tpu.memref_slice %arg18[%dma_wait3A_89] : memref<2x!tpu.dma_semaphore, #tpu.memory_space<semaphore_mem>> -> memref<1x!tpu.dma_semaphore, #tpu.memory_space<semaphore_mem>>
    %dma_wait3A_97 = tpu.memref_squeeze %dma_wait3A_96 : memref<1x!tpu.dma_semaphore, #tpu.memory_space<semaphore_mem>> -> memref<!tpu.dma_semaphore, #tpu.memory_space<semaphore_mem>>
    %dma_wait3A_98 = arith.constant 0 : i32
    %dma_wait3A_99 = tpu.memref_slice %arg7[%add3A_87, %dma_wait3A_98] : memref<16384x128xf32, #tpu.memory_space<hbm>> -> memref<128x128xf32, #tpu.memory_space<hbm>>
    %dma_wait3A_100 = arith.constant 0 : i32
    %dma_wait3A_101 = arith.constant 0 : i32
    %dma_wait3A_102 = tpu.memref_slice %arg15[%dma_wait3A_88, %dma_wait3A_100, %dma_wait3A_101] : memref<2x128x128xf32, #tpu.memory_space<vmem>> -> memref<1x128x128xf32, #tpu.memory_space<vmem>>
    %dma_wait3A_103 = tpu.memref_squeeze %dma_wait3A_102 : memref<1x128x128xf32, #tpu.memory_space<vmem>> -> memref<128x128xf32, #tpu.memory_space<vmem>>
    tpu.wait_dma2 semaphore(%dma_wait3A_97 : memref<!tpu.dma_semaphore, #tpu.memory_space<semaphore_mem>>) src(%dma_wait3A_103 : memref<128x128xf32, #tpu.memory_space<vmem>>) dst(%dma_wait3A_99 : memref<128x128xf32, #tpu.memory_space<hbm>>)
    %add3A_104 = arith.constant 384 : i32
    %add3A_105 = arith.addi %mul3A_2, %add3A_104 : i32
    %dma_wait3A_106 = arith.constant 1 : i32
    %dma_wait3A_107 = arith.constant 1 : i32
    %dma_wait3A_108 = arith.constant 0 : i32
    %dma_wait3A_109 = arith.constant 0 : i32
    %dma_wait3A_110 = tpu.memref_slice %arg15[%dma_wait3A_106, %dma_wait3A_108, %dma_wait3A_109] : memref<2x128x128xf32, #tpu.memory_space<vmem>> -> memref<1x128x128xf32, #tpu.memory_space<vmem>>
    %dma_wait3A_111 = tpu.memref_squeeze %dma_wait3A_110 : memref<1x128x128xf32, #tpu.memory_space<vmem>> -> memref<128x128xf32, #tpu.memory_space<vmem>>
    %dma_wait3A_112 = arith.constant 0 : i32
    %dma_wait3A_113 = tpu.memref_slice %arg7[%add3A_105, %dma_wait3A_112] : memref<16384x128xf32, #tpu.memory_space<hbm>> -> memref<128x128xf32, #tpu.memory_space<hbm>>
    %dma_wait3A_114 = tpu.memref_slice %arg18[%dma_wait3A_107] : memref<2x!tpu.dma_semaphore, #tpu.memory_space<semaphore_mem>> -> memref<1x!tpu.dma_semaphore, #tpu.memory_space<semaphore_mem>>
    %dma_wait3A_115 = tpu.memref_squeeze %dma_wait3A_114 : memref<1x!tpu.dma_semaphore, #tpu.memory_space<semaphore_mem>> -> memref<!tpu.dma_semaphore, #tpu.memory_space<semaphore_mem>>
    %dma_wait3A_116 = arith.constant 0 : i32
    %dma_wait3A_117 = tpu.memref_slice %arg7[%add3A_105, %dma_wait3A_116] : memref<16384x128xf32, #tpu.memory_space<hbm>> -> memref<128x128xf32, #tpu.memory_space<hbm>>
    %dma_wait3A_118 = arith.constant 0 : i32
    %dma_wait3A_119 = arith.constant 0 : i32
    %dma_wait3A_120 = tpu.memref_slice %arg15[%dma_wait3A_106, %dma_wait3A_118, %dma_wait3A_119] : memref<2x128x128xf32, #tpu.memory_space<vmem>> -> memref<1x128x128xf32, #tpu.memory_space<vmem>>
    %dma_wait3A_121 = tpu.memref_squeeze %dma_wait3A_120 : memref<1x128x128xf32, #tpu.memory_space<vmem>> -> memref<128x128xf32, #tpu.memory_space<vmem>>
    tpu.wait_dma2 semaphore(%dma_wait3A_115 : memref<!tpu.dma_semaphore, #tpu.memory_space<semaphore_mem>>) src(%dma_wait3A_121 : memref<128x128xf32, #tpu.memory_space<vmem>>) dst(%dma_wait3A_117 : memref<128x128xf32, #tpu.memory_space<hbm>>)
    return
  }
}

</mosaic_0001>

<sc_bundles>
// kernel: kernel.3.cloned.1.call-start
scs
__scs_entry_jumppad:
0x0: {  	(pc) =	sbr.rel $0x88, $3  }
0x1: {  	(tag) =	ssettag $0x0;
	lr =	simm.s32 $0x1  }
0x2: {  	[smem:$0x3F9C] =	sst lr;
	_ =	strace $0xD0000000  }
0x3: {  	_ = 	snop  }
0x4: {  	_ = 	snop  }
0x5: {  	_ = 	snop  }
0x6: {  	_ = 	snop  }
0x7: {  	_ = 	snop  }
__scs_overlays_trampoline_lowered:
0x8: {  	[smem:$0x3FAB] =	sst s0  }
0x9: {  	[smem:$0x3FAC] =	sst s1  }
0xa: {  	[smem:$0x3FAD] =	sst s2  }
0xb: {  	[smem:$0x3FAE] =	sst s3  }
0xc: {  	[smem:$0x3FAF] =	sst s4  }
0xd: {  	[smem:$0x3FB0] =	sst s5  }
0xe: {  	[smem:$0x3FB1] =	sst s6  }
0xf: {  	[smem:$0x3FB2] =	sst s7  }
0x10: {  	[smem:$0x3FB3] =	sst s8  }
0x11: {  	[smem:$0x3FB4] =	sst s9;
	s0 =	simm.s32 @!p0 $0x0  }
0x12: {  	s1 =	sld [smem:$0x3F9A];
	s0 =	simm.s32 @p0 $0x1  }
0x13: {  	[smem:$0x3FB5] =	sst s0;
	s0 =	simm.s32 @!p1 $0x0  }
0x14: {  	s2 =	sld [smem:$0x3F99];
	s0 =	simm.s32 @p1 $0x1  }
0x15: {  	[smem:$0x3FB6] =	sst s0;
	s0 =	simm.s32 @!p2 $0x0  }
0x16: {  	s3 =	sld [smem:$0x3FDB];
	s0 =	simm.s32 @p2 $0x1  }
0x17: {  	s4 =	simm.s32 $0x1BF5;
	[smem:$0x3FB8] =	sst s0  }
0x18: {  	s0 =	sld [smem:$0x3F9B];
	_ =	swait.ge [sflag:s4], $0x0  }
0x19: {  	s7 =	sld [smem:$0x3F9C]  }
0x1a: {  	s8 =	sadd.s32 $0xFFFFE003, lr  }
0x1b: {  	s9 =	sadd.s32 $0xFFFFFEF7, lr;
	s5 =	simm.s32 $0xFFFFFFFF;
	p2 =	slt.u32 s8, $0xFFFFF086  }
0x1c: {  	p1 =	slt.u32 s9, $0xF7A;
	s5 =	simm.s32 @!p2 $0x0  }
0x1d: {  	s5 =	simm.s32 @p1 $0x1;
	p0 =	seq.s32 s7, s2  }
0x1e: {  	s7 =	smul.u32 @!p0 $0xF7A, s2;
	p2 =	seq.s32 @!p0 s5, $0x0  }
0x1f: {  	s9 =	smul.u32 $0xF7A, s1;
	s8 =	simm.s32 @!p0 $0x1BF5;
	p2 =	por !p2, p0  }
0x20: {  	[sflag:s8] =	ssyncset.s32 @!p0 $0xFFFFF086;
	s6 =	sadd.s32 @!p0 s3, s7;
	s7 =	simm.s32 @!p0 $0x108  }
0x21: {  	s3 =	sadd.s32 s3, s9;
	s6 =	sadd.s32 @!p0 $0x88, s6;
	s7 =	simm.s32 @p2 $0x1082  }
0x22: {  	[simem:s7], [sflag:s8] =	dma.local @!p0 [hbm:s6], $0xF7A  }
0x23: {  	s9 =	sor.u32 $0xD0000000, s2;
	s6 =	simm.s32 $0x108;
	_ =	swait.ge @!p0 [sflag:s8], $0x0  }
0x24: {  	s3 =	sadd.s32 $0x88, s3;
	s6 =	simm.s32 @!p1 $0x1082;
	[sflag:s4] =	ssyncset.s32 $0xFFFFF086  }
0x25: {  	[simem:s6], [sflag:s4] =	dma.local [hbm:s3], $0xF7A  }
0x26: {  	[smem:$0x3F9C] =	sst s1;
	(tag) =	ssettag s2;
	_ =	strace s9  }
0x27: {  	s1 =	sld [smem:$0x3FAC]  }
0x28: {  	s2 =	sld [smem:$0x3FAD]  }
0x29: {  	s4 =	sld [smem:$0x3FAF]  }
0x2a: {  	p0 =	seq.s32 s5, $0x0;
	s5 =	sld [smem:$0x3FB0]  }
0x2b: {  	s6 =	sld [smem:$0x3FB1]  }
0x2c: {  	s7 =	sld [smem:$0x3FB2]  }
0x2d: {  	s3 =	simm.s32 $0x108;
	s8 =	sld [smem:$0x3FB3]  }
0x2e: {  	s3 =	simm.s32 @!p0 $0x1082;
	s9 =	sld [smem:$0x3FB4]  }
0x2f: {  	lr =	sadd.s32 s0, s3;
	s0 =	sld [smem:$0x3FAB]  }
0x30: {  	s3 =	sld [smem:$0x3FAE]  }
0x31: {  	[smem:$0x3FB7] =	sst s10  }
0x32: {  	s10 =	sld [smem:$0x3FB5];
	_ =	sdelay $0x3  }
0x33: {  	p0 =	seq.s32 s10, $0x1;
	s10 =	sld [smem:$0x3FB7];
	_ =	sdelay $0x3  }
0x34: {  	[smem:$0x3FB7] =	sst s10  }
0x35: {  	s10 =	sld [smem:$0x3FB6];
	_ =	sdelay $0x3  }
0x36: {  	p1 =	seq.s32 s10, $0x1;
	s10 =	sld [smem:$0x3FB7];
	_ =	sdelay $0x3  }
0x37: {  	[smem:$0x3FB7] =	sst s10  }
0x38: {  	s10 =	sld [smem:$0x3FB8]  }
0x39: {  	_ = 	snop;
	(pc) =	sbr.ind lr, $3  }
0x3a: {  	_ = 	snop  }
0x3b: {  	_ = 	snop  }
0x3c: {  	p2 =	seq.s32 s10, $0x1;
	s10 =	sld [smem:$0x3FB7]  }
0x3d: {  	_ =	shalt  }
0x3e: {  	_ =	shalt  }
0x3f: {  	_ =	shalt  }
0x40: {  	_ =	shalt  }
0x41: {  	_ =	shalt  }
0x42: {  	_ =	shalt  }
0x43: {  	_ =	shalt  }
0x44: {  	_ =	shalt  }
0x45: {  	_ =	shalt  }
0x46: {  	_ =	shalt  }
0x47: {  	_ =	shalt  }
0x48: {  	_ =	shalt  }
0x49: {  	_ =	shalt  }
0x4a: {  	_ =	shalt  }
0x4b: {  	_ =	shalt  }
0x4c: {  	_ =	shalt  }
0x4d: {  	_ =	shalt  }
0x4e: {  	_ =	shalt  }
0x4f: {  	_ =	shalt  }
0x50: {  	_ =	shalt  }
0x51: {  	_ =	shalt  }
0x52: {  	_ =	shalt  }
0x53: {  	_ =	shalt  }
0x54: {  	_ =	shalt  }
0x55: {  	_ =	shalt  }
0x56: {  	_ =	shalt  }
0x57: {  	_ =	shalt  }
0x58: {  	_ =	shalt  }
0x59: {  	_ =	shalt  }
0x5a: {  	_ =	shalt  }
0x5b: {  	_ =	shalt  }
0x5c: {  	_ =	shalt  }
0x5d: {  	_ =	shalt  }
0x5e: {  	_ =	shalt  }
0x5f: {  	_ =	shalt  }
0x60: {  	_ =	shalt  }
0x61: {  	_ =	shalt  }
0x62: {  	_ =	shalt  }
0x63: {  	_ =	shalt  }
0x64: {  	_ =	shalt  }
0x65: {  	_ =	shalt  }
0x66: {  	_ =	shalt  }
0x67: {  	_ =	shalt  }
0x68: {  	_ =	shalt  }
0x69: {  	_ =	shalt  }
0x6a: {  	_ =	shalt  }
0x6b: {  	_ =	shalt  }
0x6c: {  	_ =	shalt  }
0x6d: {  	_ =	shalt  }
0x6e: {  	_ =	shalt  }
0x6f: {  	_ =	shalt  }
0x70: {  	_ =	shalt  }
0x71: {  	_ =	shalt  }
0x72: {  	_ =	shalt  }
0x73: {  	_ =	shalt  }
0x74: {  	_ =	shalt  }
0x75: {  	_ =	shalt  }
0x76: {  	_ =	shalt  }
0x77: {  	_ =	shalt  }
0x78: {  	_ =	shalt  }
0x79: {  	_ =	shalt  }
0x7a: {  	_ =	shalt  }
0x7b: {  	_ =	shalt  }
0x7c: {  	_ =	shalt  }
0x7d: {  	_ =	shalt  }
0x7e: {  	_ =	shalt  }
0x7f: {  	_ =	shalt  }
0x80: {  	_ =	shalt  }
0x81: {  	_ =	shalt  }
0x82: {  	_ =	shalt  }
0x83: {  	_ =	shalt  }
0x84: {  	_ =	shalt  }
0x85: {  	_ =	shalt  }
0x86: {  	_ =	shalt  }
0x87: {  	_ =	shalt  }
.Lfunc_end0:
.L_simem_size_0:
called_computation_lowered:
.L_overlay_start_0:
0x88: {  	s2 =	sld [smem:$0x3FD9]  }
0x89: {  	s3 =	sld [smem:$0x3FFE];
	_ =	sdelay $0x1  }
0x8a: {  	s1 =	srdreg.scid  }
0x8b: {  	s0 =	sand.u32 $0x1, s1  }
0x8c: {  	s18 =	sshll.u32 s0, $0xA;
	s2 =	sadd.s32 s3, s2  }
0x8d: {  	s2 =	sadd.s32 s2, s18  }
0x8e: {  	[smem:$0x3FC3] =	sst s2  }
0x8f: {  	_ = 	snop  }
0x90: {  	s2 =	sld [smem:$0x3FC9]  }
0x91: {  	s19 =	sld [smem:$0x3FC8]  }
0x92: {  	s4 =	sld [smem:$0x3FC7]  }
0x93: {  	s5 =	sld [smem:$0x3FC6]  }
0x94: {  	s6 =	sld [smem:$0x3FC5]  }
0x95: {  	s7 =	sld [smem:$0x3FD0];
	(tm) =	ssettm $0x1  }
0x96: {  	s8 =	sld [smem:$0x3FFB];
	_ =	sdelay $0x3  }
0x97: {  	_ =	strace s8  }
0x98: {  	s8 =	sld [smem:$0x3FFC];
	_ =	sdelay $0x3  }
0x99: {  	_ =	strace s8  }
0x9a: {  	s8 =	sld [smem:$0x3FFD];
	_ =	sdelay $0x3  }
0x9b: {  	_ =	strace s8  }
0x9c: {  	_ =	strace $0x8FFFFFFF  }
0x9d: {  	s20 =	sld [smem:$0x3FDB];
	_ =	sdelay $0x1  }
0x9e: {  	s9 =	simm.s32 $_scs_section_size  }
0x9f: {  	s10 =	simm.s32 $_size__tile_overlayer_lowered;
	s11 =	simm.s32 $_tile_overlayer_lowered  }
0xa0: {  	s23 =	simm.s32 $0x1BFF;
	s22 =	sshll.u32 s11, $0x1;
	s8 =	sadd.s32 s9, s20  }
0xa1: {  	s12 =	simm.s32 $0x0;
	s21 =	sshll.u32 s10, $0x1;
	s10 =	sadd.s32 s22, s8  }
0xa2: {  	[timem:s12], [sflag:s23] =	dma.local [hbm:s10], s21  }
0xa3: {  	_ =	swait.ge [sflag:s23], s21  }
0xa4: {  	s9 =	ssub.s32 $0x0, s21;
	[sflag:s23] =	ssyncset.done $0x0  }
0xa5: {  	[sflag:s23] =	ssyncadd.s32 s9;
	_ =	sdelay $0x1  }
0xa6: {  	s24 =	simm.s32 $0x1B8B  }
0xa7: {  	_ =	swait.ge [sflag:s24], $0x1  }
0xa8: {  	[sflag:s24] =	ssyncset.done $0x0  }
0xa9: {  	s25 =	simm.s32 $0x1B8E;
	[sflag:s24] =	ssyncadd.s32 $0xFFFFFFFF  }
0xaa: {  	s26 =	simm.s32 $execute0_lowered;
	[smem:$0x3FD2] =	sst s25  }
0xab: {  	s9 =	sshll.u32 s26, $0x1;
	_ =	strace $0x80000046;
	[dreg:$0x1] =	wrdreg $0xFFFFFFFF  }
0xac: {  	s28 =	simm.s32 $_size_execute0_lowered;
	s8 =	sadd.s32 s8, s9;
	[dreg:$0x0] =	wrdreg $0x0  }
0xad: {  	s9 =	sshll.u32 s28, $0x1;
	[dreg:$0x2] =	wrdreg s8  }
0xae: {  	[dreg:$0x3] =	wrdreg s9  }
0xaf: {  	[dreg:$0x4] =	wrdreg $0xC0  }
0xb0: {  	_ =	task [dreg:s12], $0x5FFFF  }
0xb1: {  	[dreg:$0x1] =	wrdreg $0xFFFFFFFF  }
0xb2: {  	[dreg:$0x0] =	wrdreg $0x60  }
0xb3: {  	[dreg:$0x2] =	wrdreg s2  }
0xb4: {  	[dreg:$0x3] =	wrdreg s19  }
0xb5: {  	[dreg:$0x4] =	wrdreg s4  }
0xb6: {  	[dreg:$0x5] =	wrdreg s5  }
0xb7: {  	[dreg:$0x6] =	wrdreg s6  }
0xb8: {  	[dreg:$0x7] =	wrdreg s7  }
0xb9: {  	[dreg:$0x8] =	wrdreg $0x9  }
0xba: {  	_ =	task.clear_ibuf [dreg:s12], $0x9FFFF;
	_ =	strace $0x90000046  }
0xbb: {  	s29 =	simm.s32 $0x9;
	_ =	strace $0x80000048  }
0xbc: {  	_ =	swait.ge [sflag:s29], $0x1  }
0xbd: {  	[sflag:s29] =	ssyncadd.s32 $0xFFFFFFFF  }
0xbe: {  	_ =	strace $0x90000048  }
0xbf: {  	_ =	sfence  }
0xc0: {  	s30 =	sld [smem:$0x0];
	_ =	sdelay $0x2  }
0xc1: {  	s31 =	sshll.u32 s1, $0xD;
	s1 =	sshrl.u32 s1, $0x2  }
0xc2: {  	s3 =	sand.u32 $0x4000, s31;
	s1 =	sadd.s32 s1, s30  }
0xc3: {  	s0 =	sor.u32 s3, s0;
	s1 =	sshll.u32 s1, $0x11  }
0xc4: {  	s0 =	sor.u32 s1, s0  }
0xc5: {  	s0 =	sadd.s32 $0x8F2B, s0  }
0xc6: {  	[sflag:s0] =	ssyncadd.remote.s32 $0x1  }
0xc7: {  	_ =	sfence.sel $0xFFFF  }
0xc8: {  	[dreg:$0x0] =	wrdreg $0xFFFFFFFF;
	(pc) =	sbr.abs _section_cstart, $3  }
0xc9: {  	[dreg:$0x1] =	wrdreg $0xFFFFFFFF  }
0xca: {  	_ =	task.clear_ibuf [dreg:s12], $0x2FFFF;
	_ =	strace $0x9FFFFFFF  }
0xcb: {  	(tm) =	ssettm $0x7FFFFFFF  }
tec
execute0_lowered:
.L_overlay_start_1:
0x0: {  	(tag) =	ssettag $0x1  }
0x1: {  	s0 =	rddreg [dreg:$0x0]  }
0x2: {  	s1 =	rddreg [dreg:$0x1]  }
0x3: {  	s2 =	rddreg [dreg:$0x2]  }
0x4: {  	s6 =	rddreg [dreg:$0x5]  }
0x5: {  	s3 =	srdreg.scid;
	s4 =	stileid.u32  }
0x6: {  	s7 =	simm.s32 $0x0;
	s17 =	simm.s32 $0x400;
	s21 =	simm.s32 $0x1  }
0x7: {  	s22 =	simm.s32 $0x4E00;
	s23 =	simm.s32 $0xCE00;
	s28 =	simm.s32 $0x10E00  }
0x8: {  	s29 =	simm.s32 $0x3;
	s30 =	simm.s32 $0x14E00;
	s31 =	simm.s32 $0x4  }
0x9: {  	s3 =	sand.u32 $0x1, s3;
	s4 =	sshll.u32 s4, $0xA;
	[smem:$0x7FF] =	sst s7  }
0xa: {  	s5 =	sshll.u32 s3, $0x9;
	s3 =	ssub.s32 $0x2, s3;
	_ =	strace $0x80000047  }
0xb: {  	s8 =	sor.u32 s5, s4;
	s24 =	sshrl.u32 s3, $0x1;
	s4 =	simm.s32 $0x0  }
0xc: {  	s5 =	sshrl.u32 s8, $0x3;
	s3 =	ssub.s32 s3, s24;
	s25 =	sshll.u32 s8, $0x4  }
.Ltmp0:
0xd: {  	s15 =	sor.u32 $0x180, s8;
	s24 =	simm.s32 $0x2;
	(pc) =	sbr.rel .LBB2_1-.Ltmp0, $4  }
0xe: {  	s1 =	sadd.s32 s1, s5;
	s10 =	sadd.s32 s0, s25;
	s11 =	sadd.s32 s2, s25  }
0xf: {  	s26 =	sor.u32 $0x1000, s25;
	s12 =	sor.u32 $0x800, s25;
	s16 =	smax.u32 s3, $0x1  }
0x10: {  	s25 =	simm.s32 $0xA00;
	[dreg:$0x7] =	wrdreg s1;
	s13 =	sadd.s32 s0, s26  }
0x11: {  	s14 =	sadd.s32 s2, s26;
	s26 =	simm.s32 $0xC00;
	s1 =	simm.s32 $0x5  }
.LBB2_14:
0x12: {  	s4 =	sadd.s32 $0x1, s4  }
0x13: {  	_ =	swait.ge [sflag:s31], $0x4000;
	p0 =	sne.s32 s4, s16  }
.Ltmp1:
0x14: {  	[sflag:s31] =	ssyncset.done $0x0;
	(pc) =	sbr.rel @!p0 .LBB2_15-.Ltmp1, $4  }
0x15: {  	[sflag:s31] =	ssyncadd.s32 $0xFFFFC000  }
0x16: {  	_ =	swait.ge [sflag:s1], $0x4000  }
0x17: {  	[sflag:s1] =	ssyncset.done $0x0  }
0x18: {  	[sflag:s1] =	ssyncadd.s32 $0xFFFFC000  }
.LBB2_1:
0x19: {  	s3 =	rddreg [dreg:$0x3]  }
0x1a: {  	[tilespmem:s7], [sflag:$0x1] =	stream.linear.gather [hbm4b:s3+s7], $0x400, $0x38;
	[tilespmem:$0x18E00] =	vst v63  }
0x1b: {  	s9 =	rddreg [dreg:$0x4]  }
0x1c: {  	[tilespmem:s17], [sflag:$0x1] =	stream.linear.gather [hbm4b:s9+s7], $0x400, $0x38;
	[tilespmem:$0x18E00] =	vst v63  }
0x1d: {  	s18 =	rddreg [dreg:$0x7];
	s5 =	simm.s32 $0x800  }
0x1e: {  	[tilespmem:s5], [sflag:$0x1] =	stream.linear.gather [hbm4b:s18+s7], $0x200, $0x38;
	[tilespmem:$0x18E00] =	vst v63  }
0x1f: {  	s19 =	simm.s32 $0xE00  }
0x20: {  	[tilespmem:s19], [sflag:$0x2] =	stream.linear.gather [hbm4b:s10+s7], $0x4000, $0x38;
	[tilespmem:$0x18E00] =	vst v63  }
0x21: {  	s20 =	simm.s32 $0x8E00  }
0x22: {  	[tilespmem:s20], [sflag:$0x2] =	stream.linear.gather [hbm4b:s11+s7], $0x4000, $0x38;
	[tilespmem:$0x18E00] =	vst v63  }
0x23: {  	_ =	swait.ge [sflag:s21], $0x400  }
0x24: {  	[sflag:s21] =	ssyncset.done $0x0  }
0x25: {  	[sflag:s21] =	ssyncadd.s32 $0xFFFFFC00  }
0x26: {  	_ =	swait.ge [sflag:s21], $0x400  }
0x27: {  	[sflag:s21] =	ssyncset.done $0x0  }
0x28: {  	[sflag:s21] =	ssyncadd.s32 $0xFFFFFC00  }
0x29: {  	_ =	swait.ge [sflag:s21], $0x200  }
0x2a: {  	[sflag:s21] =	ssyncset.done $0x0  }
0x2b: {  	s5 =	simm.s32 $0x0;
	[sflag:s21] =	ssyncadd.s32 $0xFFFFFE00  }
0x2c: {  	v0 =	vld [tilespmem:s5+$0x800];
	_ =	sdelay $0x7  }
0x2d: {  	v1 =	vld.idx.msk [tilespmem:v0+s7+$0x0], $0xffff;
	_ =	sdelay $0x3  }
0x2e: {  	s9 =	simm.s32 $0x10;
	s18 =	simm.s32 $0x80  }
.LBB2_2:
0x2f: {  	p0 =	sne.s32 s18, $0x7C0;
	v2 =	vld [tilespmem:s9+$0x800];
	[tilespmem:s5+$0xA00] =	vst v1  }
0x30: {  	v1 =	vld.idx.msk [tilespmem:v0+s17+$0x0], $0xffff;
	_ =	sdelay $0x3  }
0x31: {  	v0 =	vmov v2;
	_ =	sdelay $0x1  }
0x32: {  	s3 =	simm.s32 $0x0;
	[tilespmem:s5+$0xC00] =	vst v1;
	s5 =	smov.u32 s9  }
0x33: {  	v1 =	vld.idx.msk [tilespmem:v2+s3+$0x0], $0xffff  }
.Ltmp2:
0x34: {  	(pc) =	sbr.rel @p0 .LBB2_2-.Ltmp2, $2  }
0x35: {  	_ =	sdelay $0x2  }
0x36: {  	s9 =	sshra.s32 s18, $0x2;
	s18 =	sadd.s32 $0x40, s18  }
0x37: {  	_ =	sdelay $0x1  }
0x38: {  	v2 =	vld [tilespmem:s9+$0x800]  }
0x39: {  	[tilespmem:s5+$0xA00] =	vst v1  }
0x3a: {  	v0 =	vld.idx.msk [tilespmem:v0+s17+$0x0], $0xffff;
	_ =	sdelay $0x4  }
0x3b: {  	[tilespmem:s5+$0xC00] =	vst v0  }
0x3c: {  	v0 =	vld.idx.msk [tilespmem:v2+s3+$0x0], $0xffff;
	_ =	sdelay $0x4  }
0x3d: {  	[tilespmem:s9+$0xA00] =	vst v0  }
0x3e: {  	v0 =	vld.idx.msk [tilespmem:v2+s17+$0x0], $0xffff;
	_ =	sdelay $0x4  }
0x3f: {  	p0 =	por $0x0, $0x0;
	s5 =	smov.u32 s12;
	[tilespmem:s9+$0xC00] =	vst v0  }
.LBB2_4:
0x40: {  	s9 =	sadd.s32 s0, s5  }
0x41: {  	[tilespmem:s22], [sflag:$0x3] =	stream.linear.gather [hbm4b:s9+s7], $0x4000, $0x38;
	[tilespmem:$0x18E00] =	vst v63  }
0x42: {  	s20 =	sadd.s32 s2, s5  }
0x43: {  	[tilespmem:s23], [sflag:$0x3] =	stream.linear.gather [hbm4b:s20+s7], $0x4000, $0x38;
	[tilespmem:$0x18E00] =	vst v63  }
0x44: {  	_ =	swait.ge [sflag:s24], $0x4000  }
0x45: {  	[sflag:s24] =	ssyncset.done $0x0  }
0x46: {  	[sflag:s24] =	ssyncadd.s32 $0xFFFFC000  }
0x47: {  	_ =	swait.ge [sflag:s24], $0x4000  }
0x48: {  	[sflag:s24] =	ssyncset.done $0x0  }
0x49: {  	s5 =	simm.s32 @p0 $0x4;
	[sflag:s24] =	ssyncadd.s32 $0xFFFFC000  }
0x4a: {  	_ =	swait.ge @p0 [sflag:s5], $0x4000  }
0x4b: {  	[sflag:s5] =	ssyncset.done @p0 $0x0  }
0x4c: {  	s18 =	simm.s32 $0x0;
	p1 =	por $0x1, $0x1;
	[sflag:s5] =	ssyncadd.s32 @p0 $0xFFFFC000  }
.Ltmp3:
0x4d: {  	v2 =	vld [tilespmem:s18+$0xE00];
	(pc) =	sbr.rel @!p1 .LBB2_5-.Ltmp3, $4  }
0x4e: {  	v0 =	vld [tilespmem:s18+$0xE10]  }
0x4f: {  	v1 =	vld [tilespmem:s18+$0x8E10]  }
0x50: {  	v3 =	vld [tilespmem:s18+$0xE20]  }
0x51: {  	v6 =	vmov s3;
	s5 =	sor.u32 s8, s3;
	v4 =	vld [tilespmem:s18+$0x8E20]  }
0x52: {  	_ = 	snop  }
0x53: {  	v7 =	vld [tilespmem:s18+$0xE30]  }
0x54: {  	v8 =	vld [tilespmem:s18+$0x8E30]  }
0x55: {  	v9 =	vld [tilespmem:s18+$0xE40]  }
0x56: {  	v10 =	vld.idx.msk [tilespmem:v6+s25+$0x0], $0xffff  }
0x57: {  	v11 =	vld.idx.msk [tilespmem:v6+s26+$0x0], $0xffff  }
0x58: {  	v6 =	vld [tilespmem:s18+$0x8E40]  }
0x59: {  	v12 =	vld [tilespmem:s18+$0xE50]  }
0x5a: {  	v13 =	vld [tilespmem:s18+$0x8E50]  }
0x5b: {  	v15 =	vld [tilespmem:s18+$0x8E60]  }
0x5c: {  	v14 =	vld [tilespmem:s18+$0xE60];
	v3 =	vmul.f32 v3, v10;
	v4 =	vmul.f32 v4, v11  }
0x5d: {  	v16 =	vld [tilespmem:s18+$0xE70];
	v0 =	vmul.f32 v0, v10  }
0x5e: {  	v17 =	vld [tilespmem:s18+$0x8E70];
	v1 =	vmul.f32 v1, v11;
	v6 =	vmul.f32 v6, v11;
	v3 =	vadd.f32 v4, v3  }
0x5f: {  	v18 =	vld [tilespmem:s18+$0x8E00];
	s19 =	simm.s32 $0x80;
	v4 =	vmul.f32 v7, v10;
	v7 =	vmul.f32 v8, v11  }
0x60: {  	p2 =	por $0x1, $0x1;
	v5 =	vld [tilespmem:s19+$0xE00];
	v60 =	vmul.f32 v15, v11;
	v1 =	vadd.f32 v1, v0;
	[tilespmem:s18+$0x10E20] =	vst v3;
	v3 =	vmul.f32 v9, v10  }
.Ltmp4:
0x61: {  	v8 =	vmul.f32 v13, v11;
	v4 =	vadd.f32 v7, v4;
	v7 =	vmul.f32 v12, v10;
	(pc) =	sbr.rel @!p2 .LBB2_7-.Ltmp4, $4  }
0x62: {  	v61 =	vmul.f32 v16, v10;
	v9 =	vmul.f32 v14, v10;
	v0 =	vld [tilespmem:s19+$0xE10];
	[tilespmem:s18+$0x10E10] =	vst v1;
	v6 =	vadd.f32 v6, v3  }
0x63: {  	s20 =	sadd.s32 $0x1, s3;
	v63 =	vmul.f32 v17, v11;
	v1 =	vld [tilespmem:s19+$0x8E10];
	[tilespmem:s18+$0x10E30] =	vst v4;
	v62 =	vadd.f32 v8, v7;
	v7 =	vmul.f32 v2, v10  }
0x64: {  	v8 =	vmul.f32 v18, v11;
	v9 =	vadd.f32 v60, v9;
	v3 =	vld [tilespmem:s19+$0xE20];
	[tilespmem:s18+$0x10E40] =	vst v6;
	v6 =	vmov s20  }
0x65: {  	s9 =	simm.s32 $0x400;
	p1 =	por $0x1, $0x1;
	v10 =	vadd.f32 v63, v61;
	v4 =	vld [tilespmem:s19+$0x8E20];
	[tilespmem:s18+$0x10E50] =	vst v62  }
.LBB2_8:
0x66: {  	p2 =	sne.s32 s9, $0xFE00;
	v2 =	vld [tilespmem:s19+$0xE30];
	v7 =	vadd.f32 v8, v7;
	[tilespmem:s18+$0x10E60] =	vst v9;
	v8 =	vmov v5  }
0x67: {  	v5 =	vld [tilespmem:s19+$0x8E30];
	[tilespmem:s18+$0x10E70] =	vst v10  }
0x68: {  	v9 =	vld [tilespmem:s19+$0xE40];
	[tilespmem:s18+$0x10E00] =	vst v7;
	s18 =	smov.u32 s19  }
0x69: {  	v7 =	vld.idx.msk [tilespmem:v6+s25+$0x0], $0xffff  }
0x6a: {  	v10 =	vld.idx.msk [tilespmem:v6+s26+$0x0], $0xffff  }
0x6b: {  	v6 =	vld [tilespmem:s18+$0x8E40]  }
0x6c: {  	v11 =	vld [tilespmem:s18+$0xE50]  }
0x6d: {  	v12 =	vld [tilespmem:s18+$0x8E50]  }
0x6e: {  	v13 =	vld [tilespmem:s18+$0xE60]  }
0x6f: {  	v0 =	vmul.f32 v0, v7;
	v2 =	vmul.f32 v2, v7;
	v14 =	vld [tilespmem:s18+$0x8E60]  }
0x70: {  	v3 =	vmul.f32 v3, v7;
	v4 =	vmul.f32 v4, v10;
	v15 =	vld [tilespmem:s18+$0xE70]  }
0x71: {  	v1 =	vmul.f32 v1, v10;
	v5 =	vmul.f32 v5, v10;
	v16 =	vld [tilespmem:s18+$0x8E70]  }
0x72: {  	v6 =	vmul.f32 v6, v10;
	v3 =	vadd.f32 v4, v3;
	v4 =	vmul.f32 v9, v7;
	v17 =	vld [tilespmem:s18+$0x8E00]  }
0x73: {  	s19 =	sshra.s32 s9, $0x2;
	v1 =	vadd.f32 v1, v0;
	v2 =	vadd.f32 v5, v2;
	v9 =	vmul.f32 v11, v7  }
.Ltmp5:
0x74: {  	v4 =	vadd.f32 v6, v4;
	v11 =	vmul.f32 v13, v7;
	v5 =	vld [tilespmem:s19+$0xE00];
	[tilespmem:s18+$0x10E20] =	vst v3;
	v3 =	vmul.f32 v12, v10;
	(pc) =	sbr.rel @p2 .LBB2_8-.Ltmp5, $4  }
0x75: {  	v12 =	vmul.f32 v14, v10;
	v0 =	vld [tilespmem:s19+$0xE10];
	[tilespmem:s18+$0x10E10] =	vst v1;
	v13 =	vmul.f32 v15, v7  }
0x76: {  	s20 =	sadd.s32 $0x1, s20;
	v7 =	vmul.f32 v8, v7;
	v1 =	vld [tilespmem:s19+$0x8E10];
	[tilespmem:s18+$0x10E30] =	vst v2;
	v2 =	vadd.f32 v3, v9;
	v14 =	vmul.f32 v16, v10  }
0x77: {  	v6 =	vmov s20;
	v9 =	vadd.f32 v12, v11;
	v3 =	vld [tilespmem:s19+$0xE20];
	v8 =	vmul.f32 v17, v10;
	[tilespmem:s18+$0x10E40] =	vst v4  }
0x78: {  	s9 =	sadd.s32 $0x200, s9;
	v4 =	vld [tilespmem:s19+$0x8E20];
	[tilespmem:s18+$0x10E50] =	vst v2;
	v10 =	vadd.f32 v14, v13  }
0x79: {  	v2 =	vmov v5  }
.LBB2_10:
0x7a: {  	_ = 	snop  }
0x7b: {  	v5 =	vld [tilespmem:s19+$0xE30];
	[tilespmem:s18+$0x10E60] =	vst @p1 v9;
	v7 =	vadd.f32 @p1 v8, v7  }
0x7c: {  	v9 =	vld [tilespmem:s19+$0x8E30];
	[tilespmem:s18+$0x10E70] =	vst @p1 v10  }
0x7d: {  	v8 =	vld [tilespmem:s19+$0xE40];
	[tilespmem:s18+$0x10E00] =	vst @p1 v7  }
0x7e: {  	v7 =	vld.idx.msk [tilespmem:v6+s25+$0x0], $0xffff  }
0x7f: {  	v6 =	vld.idx.msk [tilespmem:v6+s26+$0x0], $0xffff  }
0x80: {  	v10 =	vld [tilespmem:s19+$0x8E40]  }
0x81: {  	v11 =	vld [tilespmem:s19+$0xE50]  }
0x82: {  	v12 =	vld [tilespmem:s19+$0x8E50]  }
0x83: {  	v13 =	vld [tilespmem:s19+$0xE60]  }
0x84: {  	v14 =	vld [tilespmem:s19+$0x8E60]  }
0x85: {  	v15 =	vld [tilespmem:s19+$0xE70];
	v3 =	vmul.f32 v3, v7;
	v4 =	vmul.f32 v4, v6  }
0x86: {  	v16 =	vld [tilespmem:s19+$0x8E70];
	v0 =	vmul.f32 v0, v7;
	v1 =	vmul.f32 v1, v6  }
0x87: {  	v17 =	vld [tilespmem:s19+$0x8E00];
	v5 =	vmul.f32 v5, v7;
	v9 =	vmul.f32 v9, v6;
	v3 =	vadd.f32 v4, v3  }
0x88: {  	v4 =	vmul.f32 v8, v7;
	v8 =	vmul.f32 v10, v6;
	v0 =	vadd.f32 v1, v0  }
0x89: {  	v1 =	vadd.f32 v9, v5;
	v5 =	vmul.f32 v11, v7;
	[tilespmem:s19+$0x10E20] =	vst v3;
	v3 =	vmul.f32 v12, v6  }
0x8a: {  	v4 =	vadd.f32 v8, v4;
	v8 =	vmul.f32 v13, v7;
	[tilespmem:s19+$0x10E10] =	vst v0;
	v0 =	vmul.f32 v14, v6  }
0x8b: {  	v9 =	vmul.f32 v15, v7;
	[tilespmem:s19+$0x10E30] =	vst v1;
	v1 =	vadd.f32 v3, v5;
	v3 =	vmul.f32 v16, v6  }
0x8c: {  	v2 =	vmul.f32 v2, v7;
	v5 =	vmul.f32 v17, v6;
	[tilespmem:s19+$0x10E40] =	vst v4;
	v0 =	vadd.f32 v0, v8  }
0x8d: {  	[tilespmem:s19+$0x10E50] =	vst v1;
	v1 =	vadd.f32 v3, v9  }
0x8e: {  	v2 =	vadd.f32 v5, v2;
	[tilespmem:s19+$0x10E60] =	vst v0  }
0x8f: {  	s9 =	sshll.u32 s5, $0x4;
	[tilespmem:s19+$0x10E70] =	vst v1  }
0x90: {  	s9 =	sadd.s32 s6, s9;
	[tilespmem:s19+$0x10E00] =	vst v2  }
0x91: {  	[hbm4b:s9+s7] =	stream.linear.scatter [tilespmem:s28], [sflag:$0x4], $0x4000, $0x38;
	[tilespmem:$0x18E00] =	vst v63  }
0x92: {  	s18 =	simm.s32 @!p0 $0xE00;
	s9 =	simm.s32 @!p0 $0x0  }
0x93: {  	[tilespmem:s18], [sflag:$0x2] =	stream.linear.gather @!p0 [hbm4b:s13+s9], $0x4000, $0x38;
	[tilespmem:$0x18E00] =	vst v63  }
0x94: {  	s18 =	simm.s32 @!p0 $0x8E00  }
0x95: {  	[tilespmem:s18], [sflag:$0x2] =	stream.linear.gather @!p0 [hbm4b:s14+s9], $0x4000, $0x38;
	[tilespmem:$0x18E00] =	vst v63  }
0x96: {  	_ =	swait.ge [sflag:s29], $0x4000  }
0x97: {  	[sflag:s29] =	ssyncset.done $0x0  }
0x98: {  	[sflag:s29] =	ssyncadd.s32 $0xFFFFC000  }
0x99: {  	_ =	swait.ge [sflag:s29], $0x4000  }
0x9a: {  	[sflag:s29] =	ssyncset.done $0x0  }
0x9b: {  	s9 =	simm.s32 @p0 $0x5;
	[sflag:s29] =	ssyncadd.s32 $0xFFFFC000  }
0x9c: {  	_ =	swait.ge @p0 [sflag:s9], $0x4000  }
0x9d: {  	[sflag:s9] =	ssyncset.done @p0 $0x0  }
0x9e: {  	s18 =	simm.s32 $0x0;
	[sflag:s9] =	ssyncadd.s32 @p0 $0xFFFFC000  }
0x9f: {  	v4 =	vld [tilespmem:s18+$0x4E00]  }
0xa0: {  	v0 =	vld [tilespmem:s18+$0x4E10]  }
0xa1: {  	s20 =	sadd.s32 $0x80, s3;
	v1 =	vld [tilespmem:s18+$0xCE10]  }
0xa2: {  	v2 =	vmov s20;
	v3 =	vld [tilespmem:s18+$0x4E20]  }
0xa3: {  	v5 =	vld [tilespmem:s18+$0xCE20]  }
0xa4: {  	v6 =	vld [tilespmem:s18+$0x4E30]  }
0xa5: {  	v7 =	vld [tilespmem:s18+$0xCE30]  }
0xa6: {  	v8 =	vld [tilespmem:s18+$0x4E40]  }
0xa7: {  	v9 =	vld.idx.msk [tilespmem:v2+s25+$0x0], $0xffff  }
0xa8: {  	v10 =	vld.idx.msk [tilespmem:v2+s26+$0x0], $0xffff  }
0xa9: {  	v2 =	vld [tilespmem:s18+$0xCE40]  }
0xaa: {  	v11 =	vld [tilespmem:s18+$0x4E50]  }
0xab: {  	v54 =	vld [tilespmem:s18+$0xCE50]  }
0xac: {  	v55 =	vld [tilespmem:s18+$0x4E60]  }
0xad: {  	v56 =	vld [tilespmem:s18+$0xCE60];
	v3 =	vmul.f32 v3, v9;
	v5 =	vmul.f32 v5, v10  }
0xae: {  	v57 =	vld [tilespmem:s18+$0x4E70]  }
0xaf: {  	v58 =	vld [tilespmem:s18+$0xCE70];
	v59 =	vmul.f32 v0, v9;
	v1 =	vmul.f32 v1, v10;
	v3 =	vadd.f32 v5, v3  }
0xb0: {  	s19 =	simm.s32 $0x80;
	v18 =	vld [tilespmem:s18+$0xCE00];
	v5 =	vmul.f32 v6, v9;
	v6 =	vmul.f32 v7, v10  }
0xb1: {  	v0 =	vld [tilespmem:s19+$0x4E00];
	v7 =	vadd.f32 v1, v59;
	[tilespmem:s18+$0x14E20] =	vst v3;
	v3 =	vmul.f32 v8, v9;
	v8 =	vmul.f32 v2, v10  }
0xb2: {  	v60 =	vmul.f32 v56, v10;
	v5 =	vadd.f32 v6, v5  }
0xb3: {  	v6 =	vmul.f32 v11, v9;
	v1 =	vld [tilespmem:s19+$0x4E10];
	[tilespmem:s18+$0x14E10] =	vst v7;
	v7 =	vadd.f32 v8, v3;
	v8 =	vmul.f32 v54, v10  }
0xb4: {  	s20 =	sadd.s32 $0x1, s20;
	v61 =	vmul.f32 v57, v9;
	v11 =	vmul.f32 v55, v9  }
0xb5: {  	v63 =	vmul.f32 v58, v10;
	v2 =	vld [tilespmem:s19+$0xCE10];
	[tilespmem:s18+$0x14E30] =	vst v5;
	v5 =	vmov s20;
	v62 =	vadd.f32 v8, v6  }
0xb6: {  	v3 =	vld [tilespmem:s19+$0x4E20];
	[tilespmem:s18+$0x14E40] =	vst v7;
	v6 =	vmul.f32 v4, v9;
	v7 =	vmul.f32 v18, v10;
	v8 =	vadd.f32 v60, v11  }
0xb7: {  	s5 =	sor.u32 $0x80, s5;
	s9 =	simm.s32 $0x400;
	v9 =	vadd.f32 v63, v61;
	v4 =	vld [tilespmem:s19+$0xCE20];
	[tilespmem:s18+$0x14E50] =	vst v62  }
.LBB2_11:
0xb8: {  	p1 =	sne.s32 s9, $0xFE00;
	v10 =	vld [tilespmem:s19+$0x4E30];
	v6 =	vadd.f32 v7, v6;
	[tilespmem:s18+$0x14E60] =	vst v8;
	v7 =	vmov v0  }
0xb9: {  	v0 =	vld [tilespmem:s19+$0xCE30];
	[tilespmem:s18+$0x14E70] =	vst v9  }
0xba: {  	v8 =	vld [tilespmem:s19+$0x4E40];
	[tilespmem:s18+$0x14E00] =	vst v6;
	s18 =	smov.u32 s19  }
0xbb: {  	v6 =	vld.idx.msk [tilespmem:v5+s25+$0x0], $0xffff  }
0xbc: {  	v9 =	vld.idx.msk [tilespmem:v5+s26+$0x0], $0xffff  }
0xbd: {  	v5 =	vld [tilespmem:s18+$0xCE40]  }
0xbe: {  	v11 =	vld [tilespmem:s18+$0x4E50]  }
0xbf: {  	v12 =	vld [tilespmem:s18+$0xCE50]  }
0xc0: {  	v13 =	vld [tilespmem:s18+$0x4E60]  }
0xc1: {  	v1 =	vmul.f32 v1, v6;
	v10 =	vmul.f32 v10, v6;
	v14 =	vld [tilespmem:s18+$0xCE60]  }
0xc2: {  	v3 =	vmul.f32 v3, v6;
	v4 =	vmul.f32 v4, v9;
	v15 =	vld [tilespmem:s18+$0x4E70]  }
0xc3: {  	v2 =	vmul.f32 v2, v9;
	v0 =	vmul.f32 v0, v9;
	v16 =	vld [tilespmem:s18+$0xCE70]  }
0xc4: {  	v5 =	vmul.f32 v5, v9;
	v3 =	vadd.f32 v4, v3;
	v4 =	vmul.f32 v8, v6;
	v17 =	vld [tilespmem:s18+$0xCE00]  }
0xc5: {  	s19 =	sshra.s32 s9, $0x2;
	v2 =	vadd.f32 v2, v1;
	v8 =	vadd.f32 v0, v10;
	v10 =	vmul.f32 v11, v6  }
.Ltmp6:
0xc6: {  	v4 =	vadd.f32 v5, v4;
	v11 =	vmul.f32 v13, v6;
	v0 =	vld [tilespmem:s19+$0x4E00];
	[tilespmem:s18+$0x14E20] =	vst v3;
	v3 =	vmul.f32 v12, v9;
	(pc) =	sbr.rel @p1 .LBB2_11-.Ltmp6, $4  }
0xc7: {  	v12 =	vmul.f32 v14, v9;
	v1 =	vld [tilespmem:s19+$0x4E10];
	[tilespmem:s18+$0x14E10] =	vst v2;
	v13 =	vmul.f32 v15, v6  }
0xc8: {  	s20 =	sadd.s32 $0x1, s20;
	v6 =	vmul.f32 v7, v6;
	v2 =	vld [tilespmem:s19+$0xCE10];
	[tilespmem:s18+$0x14E30] =	vst v8;
	v10 =	vadd.f32 v3, v10;
	v14 =	vmul.f32 v16, v9  }
0xc9: {  	v5 =	vmov s20;
	v8 =	vadd.f32 v12, v11;
	v3 =	vld [tilespmem:s19+$0x4E20];
	v7 =	vmul.f32 v17, v9;
	[tilespmem:s18+$0x14E40] =	vst v4  }
0xca: {  	s9 =	sadd.s32 $0x200, s9;
	v4 =	vld [tilespmem:s19+$0xCE20];
	[tilespmem:s18+$0x14E50] =	vst v10;
	v9 =	vadd.f32 v14, v13  }
0xcb: {  	_ = 	snop  }
0xcc: {  	v10 =	vld [tilespmem:s19+$0x4E30];
	[tilespmem:s18+$0x14E60] =	vst v8;
	v6 =	vadd.f32 v7, v6  }
0xcd: {  	v8 =	vld [tilespmem:s19+$0xCE30];
	[tilespmem:s18+$0x14E70] =	vst v9  }
0xce: {  	v51 =	vld [tilespmem:s19+$0x4E40];
	[tilespmem:s18+$0x14E00] =	vst v6  }
0xcf: {  	v6 =	vld.idx.msk [tilespmem:v5+s25+$0x0], $0xffff  }
0xd0: {  	v52 =	vld.idx.msk [tilespmem:v5+s26+$0x0], $0xffff  }
0xd1: {  	v9 =	vld [tilespmem:s19+$0xCE40]  }
0xd2: {  	v11 =	vld [tilespmem:s19+$0x4E50]  }
0xd3: {  	v12 =	vld [tilespmem:s19+$0xCE50]  }
0xd4: {  	v13 =	vld [tilespmem:s19+$0x4E60]  }
0xd5: {  	v15 =	vld [tilespmem:s19+$0x4E70]  }
0xd6: {  	v16 =	vld [tilespmem:s19+$0xCE70];
	v3 =	vmul.f32 v3, v6;
	v4 =	vmul.f32 v4, v52  }
0xd7: {  	v17 =	vld [tilespmem:s19+$0xCE00];
	v1 =	vmul.f32 v1, v6;
	v2 =	vmul.f32 v2, v52  }
0xd8: {  	v14 =	vld [tilespmem:s19+$0xCE60];
	v10 =	vmul.f32 v10, v6;
	v8 =	vmul.f32 v8, v52;
	v3 =	vadd.f32 v4, v3  }
0xd9: {  	v53 =	vmul.f32 v51, v6;
	v54 =	vmul.f32 v9, v52;
	v1 =	vadd.f32 v2, v1  }
0xda: {  	v56 =	vmul.f32 v11, v6;
	v57 =	vmul.f32 v12, v52;
	v55 =	vadd.f32 v8, v10;
	[tilespmem:s19+$0x14E20] =	vst v3  }
0xdb: {  	v60 =	vmul.f32 v15, v6;
	v62 =	vmul.f32 v16, v52;
	v4 =	vadd.f32 v54, v53;
	[tilespmem:s19+$0x14E10] =	vst v1  }
0xdc: {  	v0 =	vmul.f32 v0, v6;
	v5 =	vmul.f32 v17, v52;
	v61 =	vadd.f32 v57, v56;
	[tilespmem:s19+$0x14E30] =	vst v55  }
0xdd: {  	v58 =	vmul.f32 v13, v6;
	v59 =	vmul.f32 v14, v52;
	v63 =	vadd.f32 v62, v60;
	[tilespmem:s19+$0x14E40] =	vst v4  }
.Ltmp7:
0xde: {  	v0 =	vadd.f32 v5, v0;
	[tilespmem:s19+$0x14E50] =	vst v61;
	(pc) =	sbr.rel @p0 .LBB2_14-.Ltmp7, $4  }
0xdf: {  	v1 =	vadd.f32 v59, v58;
	[tilespmem:s19+$0x14E70] =	vst v63  }
0xe0: {  	s5 =	sshll.u32 s5, $0x4;
	[tilespmem:s19+$0x14E00] =	vst v0  }
0xe1: {  	s5 =	sadd.s32 s6, s5;
	[tilespmem:s19+$0x14E60] =	vst v1  }
0xe2: {  	[hbm4b:s5+s7] =	stream.linear.scatter [tilespmem:s30], [sflag:$0x5], $0x4000, $0x38;
	[tilespmem:$0x18E00] =	vst v63  }
.Ltmp8:
0xe3: {  	(pc) =	sbr.rel .LBB2_4-.Ltmp8, $3  }
0xe4: {  	_ =	sdelay $0x1  }
0xe5: {  	s3 =	sadd.s32 s3, s15  }
0xe6: {  	p0 =	por $0x1, $0x1;
	s5 =	sshll.u32 s3, $0x4;
	s3 =	simm.s32 $0x100  }
.LBB2_5:
.Ltmp9:
0xe7: {  	(pc) =	sbr.rel .LBB2_10-.Ltmp9, $2  }
0xe8: {  	_ =	sdelay $0x2  }
0xe9: {  	s19 =	simm.s32 $0x0;
	p1 =	por $0x0, $0x0  }
.LBB2_7:
.Ltmp10:
0xea: {  	(pc) =	sbr.rel .LBB2_10-.Ltmp10, $2  }
0xeb: {  	_ =	sdelay $0x2  }
0xec: {  	v2 =	vmov v5  }
.LBB2_15:
0xed: {  	_ =	sfence.sel $0x180000  }
0xee: {  	[bflag:$0x0] =	sbarrier.arrive $0xFFFF  }
0xef: {  	_ =	strace $0x90000047  }
0xf0: {  	s0 =	stileid.u32;
	[bflag:$0x2] =	sbarrier.arrive $0xFFFF  }
0xf1: {  	p0 =	sne.s32 s0, $0x0;
	s0 =	rddreg [dreg:$0x6]  }
0xf2: {  	s0 =	sadd.s32 @!p0 $0x100000, s0  }
0xf3: {  	[sflag:s0] =	ssyncadd.tile.s32 @!p0 $0x1;
	_ =	shalt  }
.Lfunc_end2:
_tile_overlayer_lowered:
.L_overlay_start_2:
0xf4: {  	(tag) =	ssettag $0x2  }
0xf5: {  	s0 =	rddreg [dreg:$0x0];
	s2 =	stileid.u32  }
0xf6: {  	s1 =	rddreg [dreg:$0x1];
	p0 =	sne.s32 s2, $0x0  }
0xf7: {  	s3 =	rddreg [dreg:$0x2];
	[bflag:$0x3] =	sbarrier.arrive $0xFFFF;
	s2 =	simm.s32 @!p0 $0x1C06  }
0xf8: {  	[timem:s3], [sflag:s2] =	dma.local @!p0 [hbm:s0], s1  }
0xf9: {  	s0 =	simm.s32 @!p0 $0x6  }
0xfa: {  	_ =	swait.ge @!p0 [sflag:s0], s1  }
0xfb: {  	s1 =	ssub.s32 @!p0 $0x0, s1;
	[sflag:s0] =	ssyncset.done @!p0 $0x0  }
0xfc: {  	[sflag:s0] =	ssyncadd.s32 @!p0 s1  }
0xfd: {  	[bflag:$0x3] =	sbarrier.arrive $0xFFFF  }
0xfe: {  	_ =	shalt  }

</sc_bundles>
